<compile_context>
chip_gen: v7x
topology: tpu7x:2x2x1
jax: 0.10.2.dev20260603
libtpu: 0.0.44.dev20260713+nightly
codegen_flags: <defaults>
</compile_context>

<pallas_src>
import jax
import jax.numpy as jnp
from jax import lax
from jax.experimental import pallas as pl
from jax.experimental.pallas import tpu as pltpu
from jax.experimental.pallas import tpu_sc as plsc

PRE_SEQ_LEN = 128
OUT_DIM = 49152
B = 8
PLEN = 128
NITEMS = B * PLEN
NC = 2
NS = 16
NW = NC * NS
ROWS_PER_W = NITEMS // NW
IC = 4
DCI = OUT_DIM // IC
RING = 2 * IC
DEFER = RING // 2
STEPS = ROWS_PER_W * IC
NB = STEPS // RING


def _sc_body(prefix_hbm, table_hbm, out_hbm, pref_v, row_v, gsem, wsem):
    wid = lax.axis_index("s") * NC + lax.axis_index("c")
    base = wid * ROWS_PER_W
    pltpu.sync_copy(prefix_hbm.at[pl.ds(base, ROWS_PER_W), :], pref_v)

    def fire_gather(j, q, slot):
        pltpu.async_copy(
            table_hbm.at[pref_v.at[j], pl.ds(q * DCI, DCI)],
            row_v.at[slot], gsem.at[slot])

    def wait_gather(j, q, slot):
        pltpu.make_async_copy(
            table_hbm.at[pref_v.at[j], pl.ds(q * DCI, DCI)],
            row_v.at[slot], gsem.at[slot]).wait()

    def fire_scatter(j, q, slot):
        pltpu.async_copy(
            row_v.at[slot],
            out_hbm.at[pl.ds(base + j, 1), pl.ds(q * DCI, DCI)],
            wsem.at[slot])

    def wait_scatter(j, q, slot):
        pltpu.make_async_copy(
            row_v.at[slot],
            out_hbm.at[pl.ds(base + j, 1), pl.ds(q * DCI, DCI)],
            wsem.at[slot]).wait()

    def body(o, carry):
        for p in range(RING):
            s = RING * o + p
            j = 2 * o + p // IC
            q = p % IC

            @pl.when(s >= RING)
            def _(j=j, q=q, p=p):
                wait_scatter(j - 2, q, p)

            fire_gather(j, q, p)

            if p < IC:
                j2, q2, slot2 = 2 * o - 1, p, p + IC
            else:
                j2, q2, slot2 = 2 * o, p - IC, p - IC

            @pl.when(s - DEFER >= 0)
            def _(j2=j2, q2=q2, slot2=slot2):
                wait_gather(j2, q2, slot2)
                fire_scatter(j2, q2, slot2)

        return carry

    lax.fori_loop(0, NB, body, 0)

    for p in range(RING - DEFER, RING):
        s = STEPS - RING + p
        j, q = s // IC, p % IC
        wait_gather(j, q, p)
        fire_scatter(j, q, p)
    for p in range(RING):
        s = STEPS - RING + p
        j, q = s // IC, p % IC
        wait_scatter(j, q, p)


@jax.jit
def _sc_gather(prefix_col, table):
    mesh = plsc.VectorSubcoreMesh(core_axis_name="c", subcore_axis_name="s")
    f = pl.kernel(
        _sc_body,
        out_type=jax.ShapeDtypeStruct((NITEMS, OUT_DIM), jnp.float32),
        mesh=mesh,
        scratch_types=[
            pltpu.VMEM((ROWS_PER_W, 1), jnp.int32),
            pltpu.VMEM((RING, 1, DCI), jnp.float32),
            pltpu.SemaphoreType.DMA((RING,)),
            pltpu.SemaphoreType.DMA((RING,)),
        ],
    )
    return f(prefix_col, table)


def kernel(prefix, table):
    prefix_col = prefix.reshape(NITEMS, 1)
    out_r = _sc_gather(prefix_col, table)
    return out_r.reshape(B, PLEN, OUT_DIM)

# --- scband reference (transcript-rebuilt; emitter-appended) ---
"""Pipeline reference for scband-prefix-encoder-3143916061100 (READ-ONLY COPY).

The authoritative reference and input builder live on the scoring server;
editing this copy changes nothing except your own understanding.
"""

import jax, jax.numpy as jnp
import numpy as np

PRE_SEQ_LEN = 128
HIDDEN = 1024
N_LAYERS = 24
OUT_DIM = 2 * N_LAYERS * HIDDEN  # 49152
B = 8
PLEN = 128


def setup_inputs(seed: int = 0) -> dict:
    key = jax.random.key(seed)
    k1, k2 = jax.random.split(key)
    prefix = jax.random.randint(k1, (B, PLEN), 0, PRE_SEQ_LEN, dtype=jnp.int32)
    # learned parameter: embedding table [pre_seq_len, 2*num_layers*hidden]
    table = jax.random.normal(k2, (PRE_SEQ_LEN, OUT_DIM), dtype=jnp.float32) * 0.02
    return {"prefix": prefix, "table": table}


def reference(prefix, table):
    # prefix_projection == False branch: past_key_values = self.embedding(prefix)
    past_key_values = jnp.take(table, prefix, axis=0)  # [B, PLEN, OUT_DIM]
    return past_key_values

if __name__ == "__main__":
    import jax
    _d = setup_inputs()
    print(jax.jit(kernel)(*tuple(_d.values())))

</pallas_src>

<mosaic_0001>
#map = affine_map<(d0, d1) -> (0, 0)>
module attributes {stable_mosaic.version = 14 : i64} {
  func.func @_sc_body(%arg0: i32, %arg1: i32, %arg2: memref<1024x1xi32, #tpu.memory_space<hbm>>, %arg3: memref<128x49152xf32, #tpu.memory_space<hbm>>, %arg4: memref<1024x49152xf32, #tpu.memory_space<hbm>>, %arg5: memref<32x1xi32, #tpu.memory_space<vmem>>, %arg6: memref<8x1x12288xf32, #tpu.memory_space<vmem>>, %arg7: memref<8x!tpu.dma_semaphore, #tpu.memory_space<semaphore_mem>>, %arg8: memref<8x!tpu.dma_semaphore, #tpu.memory_space<semaphore_mem>>) attributes {dimension_semantics = [#tpu.dimension_semantics<core_parallel>, #tpu.dimension_semantics<subcore_parallel>], iteration_bounds = array<i64: 2, 16>, scalar_prefetch = 0 : i64, scratch_operands = 4 : i64, tpu.core_type = #tpu.core_type<sc_vector_subcore>, window_params = [{transform_indices = #map}, {transform_indices = #map}, {transform_indices = #map}]} {
    %mul3A = arith.constant 2 : i32
    %mul3A_0 = arith.muli %arg1, %mul3A : i32
    %add3A = arith.addi %mul3A_0, %arg0 : i32
    %mul3A_1 = arith.constant 32 : i32
    %mul3A_2 = arith.muli %add3A, %mul3A_1 : i32
    "tpu.region"() ({
      %run_scoped3A = tpu.sem_alloc : memref<!tpu.dma_semaphore, #tpu.memory_space<semaphore_mem>>
      %dma_start3A_282 = arith.constant 0 : i32
      %dma_start3A_283 = tpu.memref_slice %arg2[%mul3A_2, %dma_start3A_282] : memref<1024x1xi32, #tpu.memory_space<hbm>> -> memref<32x1xi32, #tpu.memory_space<hbm>>
      %dma_start3A_284 = arith.constant 0 : i32
      %dma_start3A_285 = tpu.memref_slice %arg2[%mul3A_2, %dma_start3A_284] : memref<1024x1xi32, #tpu.memory_space<hbm>> -> memref<32x1xi32, #tpu.memory_space<hbm>>
      tpu.enqueue_dma source(%dma_start3A_285 : memref<32x1xi32, #tpu.memory_space<hbm>>) target(%arg5 : memref<32x1xi32, #tpu.memory_space<vmem>>) target_semaphore(%run_scoped3A : memref<!tpu.dma_semaphore, #tpu.memory_space<semaphore_mem>>)
      %dma_wait3A_286 = arith.constant 0 : i32
      %dma_wait3A_287 = tpu.memref_slice %arg2[%mul3A_2, %dma_wait3A_286] : memref<1024x1xi32, #tpu.memory_space<hbm>> -> memref<32x1xi32, #tpu.memory_space<hbm>>
      %dma_wait3A_288 = arith.constant 0 : i32
      %dma_wait3A_289 = tpu.memref_slice %arg2[%mul3A_2, %dma_wait3A_288] : memref<1024x1xi32, #tpu.memory_space<hbm>> -> memref<32x1xi32, #tpu.memory_space<hbm>>
      tpu.wait_dma2 semaphore(%run_scoped3A : memref<!tpu.dma_semaphore, #tpu.memory_space<semaphore_mem>>) src(%dma_wait3A_289 : memref<32x1xi32, #tpu.memory_space<hbm>>) dst(%arg5 : memref<32x1xi32, #tpu.memory_space<vmem>>)
      tpu.yield
    }) : () -> ()
    %scan3A = arith.constant 0 : i32
    %scan3A_3 = arith.constant 0 : i32
    %scan3A_4 = arith.constant 16 : i32
    %scan3A_5 = arith.addi %scan3A_3, %scan3A_4 : i32
    %scan3A_6 = arith.constant 1 : i32
    scf.for %scan3A_282 = %scan3A_3 to %scan3A_5 step %scan3A_6  : i32 {
      %mul3A_283 = arith.constant 8 : i32
      %mul3A_284 = arith.muli %mul3A_283, %scan3A_282 : i32
      %add3A_285 = arith.constant 0 : i32
      %add3A_286 = arith.addi %mul3A_284, %add3A_285 : i32
      %mul3A_287 = arith.constant 2 : i32
      %mul3A_288 = arith.muli %mul3A_287, %scan3A_282 : i32
      %add3A_289 = arith.constant 0 : i32
      %add3A_290 = arith.addi %mul3A_288, %add3A_289 : i32
      %ge3A = arith.constant 8 : i32
      %ge3A_291 = arith.cmpi sge, %add3A_286, %ge3A : i32
      %convert_element_type3A = arith.extui %ge3A_291 : i1 to i32
      %cond3A = arith.constant 0 : i32
      %cond3A_292 = arith.cmpi ne, %convert_element_type3A, %cond3A : i32
      scf.if %cond3A_292 {
        %sub3A_575 = arith.constant 2 : i32
        %sub3A_576 = arith.subi %add3A_290, %sub3A_575 : i32
        %add3A_577 = arith.addi %mul3A_2, %sub3A_576 : i32
        %dma_wait3A_578 = arith.constant 0 : i32
        %dma_wait3A_579 = arith.constant 0 : i32
        %dma_wait3A_580 = arith.constant 0 : i32
        %dma_wait3A_581 = arith.constant 0 : i32
        %dma_wait3A_582 = tpu.memref_slice %arg6[%dma_wait3A_578, %dma_wait3A_580, %dma_wait3A_581] : memref<8x1x12288xf32, #tpu.memory_space<vmem>> -> memref<1x1x12288xf32, #tpu.memory_space<vmem>>
        %dma_wait3A_583 = tpu.memref_squeeze %dma_wait3A_582 : memref<1x1x12288xf32, #tpu.memory_space<vmem>> -> memref<1x12288xf32, #tpu.memory_space<vmem>>
        %dma_wait3A_584 = arith.constant 0 : i32
        %dma_wait3A_585 = tpu.memref_slice %arg4[%add3A_577, %dma_wait3A_584] : memref<1024x49152xf32, #tpu.memory_space<hbm>> -> memref<1x12288xf32, #tpu.memory_space<hbm>>
        %dma_wait3A_586 = tpu.memref_slice %arg8[%dma_wait3A_579] : memref<8x!tpu.dma_semaphore, #tpu.memory_space<semaphore_mem>> -> memref<1x!tpu.dma_semaphore, #tpu.memory_space<semaphore_mem>>
        %dma_wait3A_587 = tpu.memref_squeeze %dma_wait3A_586 : memref<1x!tpu.dma_semaphore, #tpu.memory_space<semaphore_mem>> -> memref<!tpu.dma_semaphore, #tpu.memory_space<semaphore_mem>>
        %dma_wait3A_588 = arith.constant 0 : i32
        %dma_wait3A_589 = tpu.memref_slice %arg4[%add3A_577, %dma_wait3A_588] : memref<1024x49152xf32, #tpu.memory_space<hbm>> -> memref<1x12288xf32, #tpu.memory_space<hbm>>
        %dma_wait3A_590 = arith.constant 0 : i32
        %dma_wait3A_591 = arith.constant 0 : i32
        %dma_wait3A_592 = tpu.memref_slice %arg6[%dma_wait3A_578, %dma_wait3A_590, %dma_wait3A_591] : memref<8x1x12288xf32, #tpu.memory_space<vmem>> -> memref<1x1x12288xf32, #tpu.memory_space<vmem>>
        %dma_wait3A_593 = tpu.memref_squeeze %dma_wait3A_592 : memref<1x1x12288xf32, #tpu.memory_space<vmem>> -> memref<1x12288xf32, #tpu.memory_space<vmem>>
        tpu.wait_dma2 semaphore(%dma_wait3A_587 : memref<!tpu.dma_semaphore, #tpu.memory_space<semaphore_mem>>) src(%dma_wait3A_593 : memref<1x12288xf32, #tpu.memory_space<vmem>>) dst(%dma_wait3A_589 : memref<1x12288xf32, #tpu.memory_space<hbm>>)
      } else {
      }
      %dma_start3A_293 = arith.constant 0 : i32
      %dma_start3A_294 = arith.constant 0 : i32
      %dma_start3A_295 = arith.constant 0 : i32
      %dma_start3A_296 = arith.constant 0 : i32
      %dma_start3A_297 = tpu.memref_slice %arg6[%dma_start3A_293, %dma_start3A_295, %dma_start3A_296] : memref<8x1x12288xf32, #tpu.memory_space<vmem>> -> memref<1x1x12288xf32, #tpu.memory_space<vmem>>
      %dma_start3A_298 = tpu.memref_squeeze %dma_start3A_297 : memref<1x1x12288xf32, #tpu.memory_space<vmem>> -> memref<1x12288xf32, #tpu.memory_space<vmem>>
      %dma_start3A_299 = arith.constant 0 : i32
      %dma_start3A_300 = tpu.memref_slice %arg5[%add3A_290, %dma_start3A_299] : memref<32x1xi32, #tpu.memory_space<vmem>> -> memref<1x1xi32, #tpu.memory_space<vmem>>
      %dma_start3A_301 = tpu.memref_squeeze %dma_start3A_300 : memref<1x1xi32, #tpu.memory_space<vmem>> -> memref<1xi32, #tpu.memory_space<vmem>>
      %dma_start3A_302 = arith.constant 0 : i32
      %dma_start3A_303 = arith.constant 0 : i32
      %dma_start3A_304 = tpu.memref_slice %arg3[%dma_start3A_302, %dma_start3A_303] : memref<128x49152xf32, #tpu.memory_space<hbm>> -> memref<128x12288xf32, #tpu.memory_space<hbm>>
      %dma_start3A_305 = tpu.memref_slice %arg7[%dma_start3A_294] : memref<8x!tpu.dma_semaphore, #tpu.memory_space<semaphore_mem>> -> memref<1x!tpu.dma_semaphore, #tpu.memory_space<semaphore_mem>>
      %dma_start3A_306 = tpu.memref_squeeze %dma_start3A_305 : memref<1x!tpu.dma_semaphore, #tpu.memory_space<semaphore_mem>> -> memref<!tpu.dma_semaphore, #tpu.memory_space<semaphore_mem>>
      tpu.enqueue_indirect_dma source(%dma_start3A_304 : memref<128x12288xf32, #tpu.memory_space<hbm>>) target(%dma_start3A_298 : memref<1x12288xf32, #tpu.memory_space<vmem>>) offsets(%dma_start3A_301 : memref<1xi32, #tpu.memory_space<vmem>>) semaphore(%dma_start3A_306 : memref<!tpu.dma_semaphore, #tpu.memory_space<semaphore_mem>>)
      %mul3A_307 = arith.constant 2 : i32
      %mul3A_308 = arith.muli %mul3A_307, %scan3A_282 : i32
      %sub3A = arith.constant 1 : i32
      %sub3A_309 = arith.subi %mul3A_308, %sub3A : i32
      %sub3A_310 = arith.constant 4 : i32
      %sub3A_311 = arith.subi %add3A_286, %sub3A_310 : i32
      %ge3A_312 = arith.constant 0 : i32
      %ge3A_313 = arith.cmpi sge, %sub3A_311, %ge3A_312 : i32
      %convert_element_type3A_314 = arith.extui %ge3A_313 : i1 to i32
      %cond3A_315 = arith.constant 0 : i32
      %cond3A_316 = arith.cmpi ne, %convert_element_type3A_314, %cond3A_315 : i32
      scf.if %cond3A_316 {
        %dma_wait3A_575 = arith.constant 4 : i32
        %dma_wait3A_576 = arith.constant 4 : i32
        %dma_wait3A_577 = arith.constant 0 : i32
        %dma_wait3A_578 = arith.constant 0 : i32
        %dma_wait3A_579 = tpu.memref_slice %arg6[%dma_wait3A_575, %dma_wait3A_577, %dma_wait3A_578] : memref<8x1x12288xf32, #tpu.memory_space<vmem>> -> memref<1x1x12288xf32, #tpu.memory_space<vmem>>
        %dma_wait3A_580 = tpu.memref_squeeze %dma_wait3A_579 : memref<1x1x12288xf32, #tpu.memory_space<vmem>> -> memref<1x12288xf32, #tpu.memory_space<vmem>>
        %dma_wait3A_581 = arith.constant 0 : i32
        %dma_wait3A_582 = tpu.memref_slice %arg5[%sub3A_309, %dma_wait3A_581] : memref<32x1xi32, #tpu.memory_space<vmem>> -> memref<1x1xi32, #tpu.memory_space<vmem>>
        %dma_wait3A_583 = tpu.memref_squeeze %dma_wait3A_582 : memref<1x1xi32, #tpu.memory_space<vmem>> -> memref<1xi32, #tpu.memory_space<vmem>>
        %dma_wait3A_584 = arith.constant 0 : i32
        %dma_wait3A_585 = arith.constant 0 : i32
        %dma_wait3A_586 = tpu.memref_slice %arg3[%dma_wait3A_584, %dma_wait3A_585] : memref<128x49152xf32, #tpu.memory_space<hbm>> -> memref<128x12288xf32, #tpu.memory_space<hbm>>
        %dma_wait3A_587 = tpu.memref_slice %arg7[%dma_wait3A_576] : memref<8x!tpu.dma_semaphore, #tpu.memory_space<semaphore_mem>> -> memref<1x!tpu.dma_semaphore, #tpu.memory_space<semaphore_mem>>
        %dma_wait3A_588 = tpu.memref_squeeze %dma_wait3A_587 : memref<1x!tpu.dma_semaphore, #tpu.memory_space<semaphore_mem>> -> memref<!tpu.dma_semaphore, #tpu.memory_space<semaphore_mem>>
        tpu.wait_indirect_dma semaphore(%dma_wait3A_588 : memref<!tpu.dma_semaphore, #tpu.memory_space<semaphore_mem>>) src(%dma_wait3A_586 : memref<128x12288xf32, #tpu.memory_space<hbm>>) dst(%dma_wait3A_580 : memref<1x12288xf32, #tpu.memory_space<vmem>>)
        %add3A_589 = arith.addi %mul3A_2, %sub3A_309 : i32
        %dma_start3A_590 = arith.constant 4 : i32
        %dma_start3A_591 = arith.constant 4 : i32
        %dma_start3A_592 = arith.constant 0 : i32
        %dma_start3A_593 = arith.constant 0 : i32
        %dma_start3A_594 = tpu.memref_slice %arg6[%dma_start3A_590, %dma_start3A_592, %dma_start3A_593] : memref<8x1x12288xf32, #tpu.memory_space<vmem>> -> memref<1x1x12288xf32, #tpu.memory_space<vmem>>
        %dma_start3A_595 = tpu.memref_squeeze %dma_start3A_594 : memref<1x1x12288xf32, #tpu.memory_space<vmem>> -> memref<1x12288xf32, #tpu.memory_space<vmem>>
        %dma_start3A_596 = arith.constant 0 : i32
        %dma_start3A_597 = tpu.memref_slice %arg4[%add3A_589, %dma_start3A_596] : memref<1024x49152xf32, #tpu.memory_space<hbm>> -> memref<1x12288xf32, #tpu.memory_space<hbm>>
        %dma_start3A_598 = tpu.memref_slice %arg8[%dma_start3A_591] : memref<8x!tpu.dma_semaphore, #tpu.memory_space<semaphore_mem>> -> memref<1x!tpu.dma_semaphore, #tpu.memory_space<semaphore_mem>>
        %dma_start3A_599 = tpu.memref_squeeze %dma_start3A_598 : memref<1x!tpu.dma_semaphore, #tpu.memory_space<semaphore_mem>> -> memref<!tpu.dma_semaphore, #tpu.memory_space<semaphore_mem>>
        %dma_start3A_600 = arith.constant 0 : i32
        %dma_start3A_601 = tpu.memref_slice %arg4[%add3A_589, %dma_start3A_600] : memref<1024x49152xf32, #tpu.memory_space<hbm>> -> memref<1x12288xf32, #tpu.memory_space<hbm>>
        %dma_start3A_602 = arith.constant 0 : i32
        %dma_start3A_603 = arith.constant 0 : i32
        %dma_start3A_604 = tpu.memref_slice %arg6[%dma_start3A_590, %dma_start3A_602, %dma_start3A_603] : memref<8x1x12288xf32, #tpu.memory_space<vmem>> -> memref<1x1x12288xf32, #tpu.memory_space<vmem>>
        %dma_start3A_605 = tpu.memref_squeeze %dma_start3A_604 : memref<1x1x12288xf32, #tpu.memory_space<vmem>> -> memref<1x12288xf32, #tpu.memory_space<vmem>>
        tpu.enqueue_dma source(%dma_start3A_605 : memref<1x12288xf32, #tpu.memory_space<vmem>>) target(%dma_start3A_601 : memref<1x12288xf32, #tpu.memory_space<hbm>>) target_semaphore(%dma_start3A_599 : memref<!tpu.dma_semaphore, #tpu.memory_space<semaphore_mem>>)
      } else {
      }
      %mul3A_317 = arith.constant 8 : i32
      %mul3A_318 = arith.muli %mul3A_317, %scan3A_282 : i32
      %add3A_319 = arith.constant 1 : i32
      %add3A_320 = arith.addi %mul3A_318, %add3A_319 : i32
      %mul3A_321 = arith.constant 2 : i32
      %mul3A_322 = arith.muli %mul3A_321, %scan3A_282 : i32
      %add3A_323 = arith.constant 0 : i32
      %add3A_324 = arith.addi %mul3A_322, %add3A_323 : i32
      %ge3A_325 = arith.constant 8 : i32
      %ge3A_326 = arith.cmpi sge, %add3A_320, %ge3A_325 : i32
      %convert_element_type3A_327 = arith.extui %ge3A_326 : i1 to i32
      %cond3A_328 = arith.constant 0 : i32
      %cond3A_329 = arith.cmpi ne, %convert_element_type3A_327, %cond3A_328 : i32
      scf.if %cond3A_329 {
        %sub3A_575 = arith.constant 2 : i32
        %sub3A_576 = arith.subi %add3A_324, %sub3A_575 : i32
        %add3A_577 = arith.addi %mul3A_2, %sub3A_576 : i32
        %dma_wait3A_578 = arith.constant 1 : i32
        %dma_wait3A_579 = arith.constant 1 : i32
        %dma_wait3A_580 = arith.constant 0 : i32
        %dma_wait3A_581 = arith.constant 0 : i32
        %dma_wait3A_582 = tpu.memref_slice %arg6[%dma_wait3A_578, %dma_wait3A_580, %dma_wait3A_581] : memref<8x1x12288xf32, #tpu.memory_space<vmem>> -> memref<1x1x12288xf32, #tpu.memory_space<vmem>>
        %dma_wait3A_583 = tpu.memref_squeeze %dma_wait3A_582 : memref<1x1x12288xf32, #tpu.memory_space<vmem>> -> memref<1x12288xf32, #tpu.memory_space<vmem>>
        %dma_wait3A_584 = arith.constant 12288 : i32
        %dma_wait3A_585 = tpu.memref_slice %arg4[%add3A_577, %dma_wait3A_584] : memref<1024x49152xf32, #tpu.memory_space<hbm>> -> memref<1x12288xf32, #tpu.memory_space<hbm>>
        %dma_wait3A_586 = tpu.memref_slice %arg8[%dma_wait3A_579] : memref<8x!tpu.dma_semaphore, #tpu.memory_space<semaphore_mem>> -> memref<1x!tpu.dma_semaphore, #tpu.memory_space<semaphore_mem>>
        %dma_wait3A_587 = tpu.memref_squeeze %dma_wait3A_586 : memref<1x!tpu.dma_semaphore, #tpu.memory_space<semaphore_mem>> -> memref<!tpu.dma_semaphore, #tpu.memory_space<semaphore_mem>>
        %dma_wait3A_588 = arith.constant 12288 : i32
        %dma_wait3A_589 = tpu.memref_slice %arg4[%add3A_577, %dma_wait3A_588] : memref<1024x49152xf32, #tpu.memory_space<hbm>> -> memref<1x12288xf32, #tpu.memory_space<hbm>>
        %dma_wait3A_590 = arith.constant 0 : i32
        %dma_wait3A_591 = arith.constant 0 : i32
        %dma_wait3A_592 = tpu.memref_slice %arg6[%dma_wait3A_578, %dma_wait3A_590, %dma_wait3A_591] : memref<8x1x12288xf32, #tpu.memory_space<vmem>> -> memref<1x1x12288xf32, #tpu.memory_space<vmem>>
        %dma_wait3A_593 = tpu.memref_squeeze %dma_wait3A_592 : memref<1x1x12288xf32, #tpu.memory_space<vmem>> -> memref<1x12288xf32, #tpu.memory_space<vmem>>
        tpu.wait_dma2 semaphore(%dma_wait3A_587 : memref<!tpu.dma_semaphore, #tpu.memory_space<semaphore_mem>>) src(%dma_wait3A_593 : memref<1x12288xf32, #tpu.memory_space<vmem>>) dst(%dma_wait3A_589 : memref<1x12288xf32, #tpu.memory_space<hbm>>)
      } else {
      }
      %dma_start3A_330 = arith.constant 1 : i32
      %dma_start3A_331 = arith.constant 1 : i32
      %dma_start3A_332 = arith.constant 0 : i32
      %dma_start3A_333 = arith.constant 0 : i32
      %dma_start3A_334 = tpu.memref_slice %arg6[%dma_start3A_330, %dma_start3A_332, %dma_start3A_333] : memref<8x1x12288xf32, #tpu.memory_space<vmem>> -> memref<1x1x12288xf32, #tpu.memory_space<vmem>>
      %dma_start3A_335 = tpu.memref_squeeze %dma_start3A_334 : memref<1x1x12288xf32, #tpu.memory_space<vmem>> -> memref<1x12288xf32, #tpu.memory_space<vmem>>
      %dma_start3A_336 = arith.constant 0 : i32
      %dma_start3A_337 = tpu.memref_slice %arg5[%add3A_324, %dma_start3A_336] : memref<32x1xi32, #tpu.memory_space<vmem>> -> memref<1x1xi32, #tpu.memory_space<vmem>>
      %dma_start3A_338 = tpu.memref_squeeze %dma_start3A_337 : memref<1x1xi32, #tpu.memory_space<vmem>> -> memref<1xi32, #tpu.memory_space<vmem>>
      %dma_start3A_339 = arith.constant 0 : i32
      %dma_start3A_340 = arith.constant 12288 : i32
      %dma_start3A_341 = tpu.memref_slice %arg3[%dma_start3A_339, %dma_start3A_340] : memref<128x49152xf32, #tpu.memory_space<hbm>> -> memref<128x12288xf32, #tpu.memory_space<hbm>>
      %dma_start3A_342 = tpu.memref_slice %arg7[%dma_start3A_331] : memref<8x!tpu.dma_semaphore, #tpu.memory_space<semaphore_mem>> -> memref<1x!tpu.dma_semaphore, #tpu.memory_space<semaphore_mem>>
      %dma_start3A_343 = tpu.memref_squeeze %dma_start3A_342 : memref<1x!tpu.dma_semaphore, #tpu.memory_space<semaphore_mem>> -> memref<!tpu.dma_semaphore, #tpu.memory_space<semaphore_mem>>
      tpu.enqueue_indirect_dma source(%dma_start3A_341 : memref<128x12288xf32, #tpu.memory_space<hbm>>) target(%dma_start3A_335 : memref<1x12288xf32, #tpu.memory_space<vmem>>) offsets(%dma_start3A_338 : memref<1xi32, #tpu.memory_space<vmem>>) semaphore(%dma_start3A_343 : memref<!tpu.dma_semaphore, #tpu.memory_space<semaphore_mem>>)
      %mul3A_344 = arith.constant 2 : i32
      %mul3A_345 = arith.muli %mul3A_344, %scan3A_282 : i32
      %sub3A_346 = arith.constant 1 : i32
      %sub3A_347 = arith.subi %mul3A_345, %sub3A_346 : i32
      %sub3A_348 = arith.constant 4 : i32
      %sub3A_349 = arith.subi %add3A_320, %sub3A_348 : i32
      %ge3A_350 = arith.constant 0 : i32
      %ge3A_351 = arith.cmpi sge, %sub3A_349, %ge3A_350 : i32
      %convert_element_type3A_352 = arith.extui %ge3A_351 : i1 to i32
      %cond3A_353 = arith.constant 0 : i32
      %cond3A_354 = arith.cmpi ne, %convert_element_type3A_352, %cond3A_353 : i32
      scf.if %cond3A_354 {
        %dma_wait3A_575 = arith.constant 5 : i32
        %dma_wait3A_576 = arith.constant 5 : i32
        %dma_wait3A_577 = arith.constant 0 : i32
        %dma_wait3A_578 = arith.constant 0 : i32
        %dma_wait3A_579 = tpu.memref_slice %arg6[%dma_wait3A_575, %dma_wait3A_577, %dma_wait3A_578] : memref<8x1x12288xf32, #tpu.memory_space<vmem>> -> memref<1x1x12288xf32, #tpu.memory_space<vmem>>
        %dma_wait3A_580 = tpu.memref_squeeze %dma_wait3A_579 : memref<1x1x12288xf32, #tpu.memory_space<vmem>> -> memref<1x12288xf32, #tpu.memory_space<vmem>>
        %dma_wait3A_581 = arith.constant 0 : i32
        %dma_wait3A_582 = tpu.memref_slice %arg5[%sub3A_347, %dma_wait3A_581] : memref<32x1xi32, #tpu.memory_space<vmem>> -> memref<1x1xi32, #tpu.memory_space<vmem>>
        %dma_wait3A_583 = tpu.memref_squeeze %dma_wait3A_582 : memref<1x1xi32, #tpu.memory_space<vmem>> -> memref<1xi32, #tpu.memory_space<vmem>>
        %dma_wait3A_584 = arith.constant 0 : i32
        %dma_wait3A_585 = arith.constant 12288 : i32
        %dma_wait3A_586 = tpu.memref_slice %arg3[%dma_wait3A_584, %dma_wait3A_585] : memref<128x49152xf32, #tpu.memory_space<hbm>> -> memref<128x12288xf32, #tpu.memory_space<hbm>>
        %dma_wait3A_587 = tpu.memref_slice %arg7[%dma_wait3A_576] : memref<8x!tpu.dma_semaphore, #tpu.memory_space<semaphore_mem>> -> memref<1x!tpu.dma_semaphore, #tpu.memory_space<semaphore_mem>>
        %dma_wait3A_588 = tpu.memref_squeeze %dma_wait3A_587 : memref<1x!tpu.dma_semaphore, #tpu.memory_space<semaphore_mem>> -> memref<!tpu.dma_semaphore, #tpu.memory_space<semaphore_mem>>
        tpu.wait_indirect_dma semaphore(%dma_wait3A_588 : memref<!tpu.dma_semaphore, #tpu.memory_space<semaphore_mem>>) src(%dma_wait3A_586 : memref<128x12288xf32, #tpu.memory_space<hbm>>) dst(%dma_wait3A_580 : memref<1x12288xf32, #tpu.memory_space<vmem>>)
        %add3A_589 = arith.addi %mul3A_2, %sub3A_347 : i32
        %dma_start3A_590 = arith.constant 5 : i32
        %dma_start3A_591 = arith.constant 5 : i32
        %dma_start3A_592 = arith.constant 0 : i32
        %dma_start3A_593 = arith.constant 0 : i32
        %dma_start3A_594 = tpu.memref_slice %arg6[%dma_start3A_590, %dma_start3A_592, %dma_start3A_593] : memref<8x1x12288xf32, #tpu.memory_space<vmem>> -> memref<1x1x12288xf32, #tpu.memory_space<vmem>>
        %dma_start3A_595 = tpu.memref_squeeze %dma_start3A_594 : memref<1x1x12288xf32, #tpu.memory_space<vmem>> -> memref<1x12288xf32, #tpu.memory_space<vmem>>
        %dma_start3A_596 = arith.constant 12288 : i32
        %dma_start3A_597 = tpu.memref_slice %arg4[%add3A_589, %dma_start3A_596] : memref<1024x49152xf32, #tpu.memory_space<hbm>> -> memref<1x12288xf32, #tpu.memory_space<hbm>>
        %dma_start3A_598 = tpu.memref_slice %arg8[%dma_start3A_591] : memref<8x!tpu.dma_semaphore, #tpu.memory_space<semaphore_mem>> -> memref<1x!tpu.dma_semaphore, #tpu.memory_space<semaphore_mem>>
        %dma_start3A_599 = tpu.memref_squeeze %dma_start3A_598 : memref<1x!tpu.dma_semaphore, #tpu.memory_space<semaphore_mem>> -> memref<!tpu.dma_semaphore, #tpu.memory_space<semaphore_mem>>
        %dma_start3A_600 = arith.constant 12288 : i32
        %dma_start3A_601 = tpu.memref_slice %arg4[%add3A_589, %dma_start3A_600] : memref<1024x49152xf32, #tpu.memory_space<hbm>> -> memref<1x12288xf32, #tpu.memory_space<hbm>>
        %dma_start3A_602 = arith.constant 0 : i32
        %dma_start3A_603 = arith.constant 0 : i32
        %dma_start3A_604 = tpu.memref_slice %arg6[%dma_start3A_590, %dma_start3A_602, %dma_start3A_603] : memref<8x1x12288xf32, #tpu.memory_space<vmem>> -> memref<1x1x12288xf32, #tpu.memory_space<vmem>>
        %dma_start3A_605 = tpu.memref_squeeze %dma_start3A_604 : memref<1x1x12288xf32, #tpu.memory_space<vmem>> -> memref<1x12288xf32, #tpu.memory_space<vmem>>
        tpu.enqueue_dma source(%dma_start3A_605 : memref<1x12288xf32, #tpu.memory_space<vmem>>) target(%dma_start3A_601 : memref<1x12288xf32, #tpu.memory_space<hbm>>) target_semaphore(%dma_start3A_599 : memref<!tpu.dma_semaphore, #tpu.memory_space<semaphore_mem>>)
      } else {
      }
      %mul3A_355 = arith.constant 8 : i32
      %mul3A_356 = arith.muli %mul3A_355, %scan3A_282 : i32
      %add3A_357 = arith.constant 2 : i32
      %add3A_358 = arith.addi %mul3A_356, %add3A_357 : i32
      %mul3A_359 = arith.constant 2 : i32
      %mul3A_360 = arith.muli %mul3A_359, %scan3A_282 : i32
      %add3A_361 = arith.constant 0 : i32
      %add3A_362 = arith.addi %mul3A_360, %add3A_361 : i32
      %ge3A_363 = arith.constant 8 : i32
      %ge3A_364 = arith.cmpi sge, %add3A_358, %ge3A_363 : i32
      %convert_element_type3A_365 = arith.extui %ge3A_364 : i1 to i32
      %cond3A_366 = arith.constant 0 : i32
      %cond3A_367 = arith.cmpi ne, %convert_element_type3A_365, %cond3A_366 : i32
      scf.if %cond3A_367 {
        %sub3A_575 = arith.constant 2 : i32
        %sub3A_576 = arith.subi %add3A_362, %sub3A_575 : i32
        %add3A_577 = arith.addi %mul3A_2, %sub3A_576 : i32
        %dma_wait3A_578 = arith.constant 2 : i32
        %dma_wait3A_579 = arith.constant 2 : i32
        %dma_wait3A_580 = arith.constant 0 : i32
        %dma_wait3A_581 = arith.constant 0 : i32
        %dma_wait3A_582 = tpu.memref_slice %arg6[%dma_wait3A_578, %dma_wait3A_580, %dma_wait3A_581] : memref<8x1x12288xf32, #tpu.memory_space<vmem>> -> memref<1x1x12288xf32, #tpu.memory_space<vmem>>
        %dma_wait3A_583 = tpu.memref_squeeze %dma_wait3A_582 : memref<1x1x12288xf32, #tpu.memory_space<vmem>> -> memref<1x12288xf32, #tpu.memory_space<vmem>>
        %dma_wait3A_584 = arith.constant 24576 : i32
        %dma_wait3A_585 = tpu.memref_slice %arg4[%add3A_577, %dma_wait3A_584] : memref<1024x49152xf32, #tpu.memory_space<hbm>> -> memref<1x12288xf32, #tpu.memory_space<hbm>>
        %dma_wait3A_586 = tpu.memref_slice %arg8[%dma_wait3A_579] : memref<8x!tpu.dma_semaphore, #tpu.memory_space<semaphore_mem>> -> memref<1x!tpu.dma_semaphore, #tpu.memory_space<semaphore_mem>>
        %dma_wait3A_587 = tpu.memref_squeeze %dma_wait3A_586 : memref<1x!tpu.dma_semaphore, #tpu.memory_space<semaphore_mem>> -> memref<!tpu.dma_semaphore, #tpu.memory_space<semaphore_mem>>
        %dma_wait3A_588 = arith.constant 24576 : i32
        %dma_wait3A_589 = tpu.memref_slice %arg4[%add3A_577, %dma_wait3A_588] : memref<1024x49152xf32, #tpu.memory_space<hbm>> -> memref<1x12288xf32, #tpu.memory_space<hbm>>
        %dma_wait3A_590 = arith.constant 0 : i32
        %dma_wait3A_591 = arith.constant 0 : i32
        %dma_wait3A_592 = tpu.memref_slice %arg6[%dma_wait3A_578, %dma_wait3A_590, %dma_wait3A_591] : memref<8x1x12288xf32, #tpu.memory_space<vmem>> -> memref<1x1x12288xf32, #tpu.memory_space<vmem>>
        %dma_wait3A_593 = tpu.memref_squeeze %dma_wait3A_592 : memref<1x1x12288xf32, #tpu.memory_space<vmem>> -> memref<1x12288xf32, #tpu.memory_space<vmem>>
        tpu.wait_dma2 semaphore(%dma_wait3A_587 : memref<!tpu.dma_semaphore, #tpu.memory_space<semaphore_mem>>) src(%dma_wait3A_593 : memref<1x12288xf32, #tpu.memory_space<vmem>>) dst(%dma_wait3A_589 : memref<1x12288xf32, #tpu.memory_space<hbm>>)
      } else {
      }
      %dma_start3A_368 = arith.constant 2 : i32
      %dma_start3A_369 = arith.constant 2 : i32
      %dma_start3A_370 = arith.constant 0 : i32
      %dma_start3A_371 = arith.constant 0 : i32
      %dma_start3A_372 = tpu.memref_slice %arg6[%dma_start3A_368, %dma_start3A_370, %dma_start3A_371] : memref<8x1x12288xf32, #tpu.memory_space<vmem>> -> memref<1x1x12288xf32, #tpu.memory_space<vmem>>
      %dma_start3A_373 = tpu.memref_squeeze %dma_start3A_372 : memref<1x1x12288xf32, #tpu.memory_space<vmem>> -> memref<1x12288xf32, #tpu.memory_space<vmem>>
      %dma_start3A_374 = arith.constant 0 : i32
      %dma_start3A_375 = tpu.memref_slice %arg5[%add3A_362, %dma_start3A_374] : memref<32x1xi32, #tpu.memory_space<vmem>> -> memref<1x1xi32, #tpu.memory_space<vmem>>
      %dma_start3A_376 = tpu.memref_squeeze %dma_start3A_375 : memref<1x1xi32, #tpu.memory_space<vmem>> -> memref<1xi32, #tpu.memory_space<vmem>>
      %dma_start3A_377 = arith.constant 0 : i32
      %dma_start3A_378 = arith.constant 24576 : i32
      %dma_start3A_379 = tpu.memref_slice %arg3[%dma_start3A_377, %dma_start3A_378] : memref<128x49152xf32, #tpu.memory_space<hbm>> -> memref<128x12288xf32, #tpu.memory_space<hbm>>
      %dma_start3A_380 = tpu.memref_slice %arg7[%dma_start3A_369] : memref<8x!tpu.dma_semaphore, #tpu.memory_space<semaphore_mem>> -> memref<1x!tpu.dma_semaphore, #tpu.memory_space<semaphore_mem>>
      %dma_start3A_381 = tpu.memref_squeeze %dma_start3A_380 : memref<1x!tpu.dma_semaphore, #tpu.memory_space<semaphore_mem>> -> memref<!tpu.dma_semaphore, #tpu.memory_space<semaphore_mem>>
      tpu.enqueue_indirect_dma source(%dma_start3A_379 : memref<128x12288xf32, #tpu.memory_space<hbm>>) target(%dma_start3A_373 : memref<1x12288xf32, #tpu.memory_space<vmem>>) offsets(%dma_start3A_376 : memref<1xi32, #tpu.memory_space<vmem>>) semaphore(%dma_start3A_381 : memref<!tpu.dma_semaphore, #tpu.memory_space<semaphore_mem>>)
      %mul3A_382 = arith.constant 2 : i32
      %mul3A_383 = arith.muli %mul3A_382, %scan3A_282 : i32
      %sub3A_384 = arith.constant 1 : i32
      %sub3A_385 = arith.subi %mul3A_383, %sub3A_384 : i32
      %sub3A_386 = arith.constant 4 : i32
      %sub3A_387 = arith.subi %add3A_358, %sub3A_386 : i32
      %ge3A_388 = arith.constant 0 : i32
      %ge3A_389 = arith.cmpi sge, %sub3A_387, %ge3A_388 : i32
      %convert_element_type3A_390 = arith.extui %ge3A_389 : i1 to i32
      %cond3A_391 = arith.constant 0 : i32
      %cond3A_392 = arith.cmpi ne, %convert_element_type3A_390, %cond3A_391 : i32
      scf.if %cond3A_392 {
        %dma_wait3A_575 = arith.constant 6 : i32
        %dma_wait3A_576 = arith.constant 6 : i32
        %dma_wait3A_577 = arith.constant 0 : i32
        %dma_wait3A_578 = arith.constant 0 : i32
        %dma_wait3A_579 = tpu.memref_slice %arg6[%dma_wait3A_575, %dma_wait3A_577, %dma_wait3A_578] : memref<8x1x12288xf32, #tpu.memory_space<vmem>> -> memref<1x1x12288xf32, #tpu.memory_space<vmem>>
        %dma_wait3A_580 = tpu.memref_squeeze %dma_wait3A_579 : memref<1x1x12288xf32, #tpu.memory_space<vmem>> -> memref<1x12288xf32, #tpu.memory_space<vmem>>
        %dma_wait3A_581 = arith.constant 0 : i32
        %dma_wait3A_582 = tpu.memref_slice %arg5[%sub3A_385, %dma_wait3A_581] : memref<32x1xi32, #tpu.memory_space<vmem>> -> memref<1x1xi32, #tpu.memory_space<vmem>>
        %dma_wait3A_583 = tpu.memref_squeeze %dma_wait3A_582 : memref<1x1xi32, #tpu.memory_space<vmem>> -> memref<1xi32, #tpu.memory_space<vmem>>
        %dma_wait3A_584 = arith.constant 0 : i32
        %dma_wait3A_585 = arith.constant 24576 : i32
        %dma_wait3A_586 = tpu.memref_slice %arg3[%dma_wait3A_584, %dma_wait3A_585] : memref<128x49152xf32, #tpu.memory_space<hbm>> -> memref<128x12288xf32, #tpu.memory_space<hbm>>
        %dma_wait3A_587 = tpu.memref_slice %arg7[%dma_wait3A_576] : memref<8x!tpu.dma_semaphore, #tpu.memory_space<semaphore_mem>> -> memref<1x!tpu.dma_semaphore, #tpu.memory_space<semaphore_mem>>
        %dma_wait3A_588 = tpu.memref_squeeze %dma_wait3A_587 : memref<1x!tpu.dma_semaphore, #tpu.memory_space<semaphore_mem>> -> memref<!tpu.dma_semaphore, #tpu.memory_space<semaphore_mem>>
        tpu.wait_indirect_dma semaphore(%dma_wait3A_588 : memref<!tpu.dma_semaphore, #tpu.memory_space<semaphore_mem>>) src(%dma_wait3A_586 : memref<128x12288xf32, #tpu.memory_space<hbm>>) dst(%dma_wait3A_580 : memref<1x12288xf32, #tpu.memory_space<vmem>>)
        %add3A_589 = arith.addi %mul3A_2, %sub3A_385 : i32
        %dma_start3A_590 = arith.constant 6 : i32
        %dma_start3A_591 = arith.constant 6 : i32
        %dma_start3A_592 = arith.constant 0 : i32
        %dma_start3A_593 = arith.constant 0 : i32
        %dma_start3A_594 = tpu.memref_slice %arg6[%dma_start3A_590, %dma_start3A_592, %dma_start3A_593] : memref<8x1x12288xf32, #tpu.memory_space<vmem>> -> memref<1x1x12288xf32, #tpu.memory_space<vmem>>
        %dma_start3A_595 = tpu.memref_squeeze %dma_start3A_594 : memref<1x1x12288xf32, #tpu.memory_space<vmem>> -> memref<1x12288xf32, #tpu.memory_space<vmem>>
        %dma_start3A_596 = arith.constant 24576 : i32
        %dma_start3A_597 = tpu.memref_slice %arg4[%add3A_589, %dma_start3A_596] : memref<1024x49152xf32, #tpu.memory_space<hbm>> -> memref<1x12288xf32, #tpu.memory_space<hbm>>
        %dma_start3A_598 = tpu.memref_slice %arg8[%dma_start3A_591] : memref<8x!tpu.dma_semaphore, #tpu.memory_space<semaphore_mem>> -> memref<1x!tpu.dma_semaphore, #tpu.memory_space<semaphore_mem>>
        %dma_start3A_599 = tpu.memref_squeeze %dma_start3A_598 : memref<1x!tpu.dma_semaphore, #tpu.memory_space<semaphore_mem>> -> memref<!tpu.dma_semaphore, #tpu.memory_space<semaphore_mem>>
        %dma_start3A_600 = arith.constant 24576 : i32
        %dma_start3A_601 = tpu.memref_slice %arg4[%add3A_589, %dma_start3A_600] : memref<1024x49152xf32, #tpu.memory_space<hbm>> -> memref<1x12288xf32, #tpu.memory_space<hbm>>
        %dma_start3A_602 = arith.constant 0 : i32
        %dma_start3A_603 = arith.constant 0 : i32
        %dma_start3A_604 = tpu.memref_slice %arg6[%dma_start3A_590, %dma_start3A_602, %dma_start3A_603] : memref<8x1x12288xf32, #tpu.memory_space<vmem>> -> memref<1x1x12288xf32, #tpu.memory_space<vmem>>
        %dma_start3A_605 = tpu.memref_squeeze %dma_start3A_604 : memref<1x1x12288xf32, #tpu.memory_space<vmem>> -> memref<1x12288xf32, #tpu.memory_space<vmem>>
        tpu.enqueue_dma source(%dma_start3A_605 : memref<1x12288xf32, #tpu.memory_space<vmem>>) target(%dma_start3A_601 : memref<1x12288xf32, #tpu.memory_space<hbm>>) target_semaphore(%dma_start3A_599 : memref<!tpu.dma_semaphore, #tpu.memory_space<semaphore_mem>>)
      } else {
      }
      %mul3A_393 = arith.constant 8 : i32
      %mul3A_394 = arith.muli %mul3A_393, %scan3A_282 : i32
      %add3A_395 = arith.constant 3 : i32
      %add3A_396 = arith.addi %mul3A_394, %add3A_395 : i32
      %mul3A_397 = arith.constant 2 : i32
      %mul3A_398 = arith.muli %mul3A_397, %scan3A_282 : i32
      %add3A_399 = arith.constant 0 : i32
      %add3A_400 = arith.addi %mul3A_398, %add3A_399 : i32
      %ge3A_401 = arith.constant 8 : i32
      %ge3A_402 = arith.cmpi sge, %add3A_396, %ge3A_401 : i32
      %convert_element_type3A_403 = arith.extui %ge3A_402 : i1 to i32
      %cond3A_404 = arith.constant 0 : i32
      %cond3A_405 = arith.cmpi ne, %convert_element_type3A_403, %cond3A_404 : i32
      scf.if %cond3A_405 {
        %sub3A_575 = arith.constant 2 : i32
        %sub3A_576 = arith.subi %add3A_400, %sub3A_575 : i32
        %add3A_577 = arith.addi %mul3A_2, %sub3A_576 : i32
        %dma_wait3A_578 = arith.constant 3 : i32
        %dma_wait3A_579 = arith.constant 3 : i32
        %dma_wait3A_580 = arith.constant 0 : i32
        %dma_wait3A_581 = arith.constant 0 : i32
        %dma_wait3A_582 = tpu.memref_slice %arg6[%dma_wait3A_578, %dma_wait3A_580, %dma_wait3A_581] : memref<8x1x12288xf32, #tpu.memory_space<vmem>> -> memref<1x1x12288xf32, #tpu.memory_space<vmem>>
        %dma_wait3A_583 = tpu.memref_squeeze %dma_wait3A_582 : memref<1x1x12288xf32, #tpu.memory_space<vmem>> -> memref<1x12288xf32, #tpu.memory_space<vmem>>
        %dma_wait3A_584 = arith.constant 36864 : i32
        %dma_wait3A_585 = tpu.memref_slice %arg4[%add3A_577, %dma_wait3A_584] : memref<1024x49152xf32, #tpu.memory_space<hbm>> -> memref<1x12288xf32, #tpu.memory_space<hbm>>
        %dma_wait3A_586 = tpu.memref_slice %arg8[%dma_wait3A_579] : memref<8x!tpu.dma_semaphore, #tpu.memory_space<semaphore_mem>> -> memref<1x!tpu.dma_semaphore, #tpu.memory_space<semaphore_mem>>
        %dma_wait3A_587 = tpu.memref_squeeze %dma_wait3A_586 : memref<1x!tpu.dma_semaphore, #tpu.memory_space<semaphore_mem>> -> memref<!tpu.dma_semaphore, #tpu.memory_space<semaphore_mem>>
        %dma_wait3A_588 = arith.constant 36864 : i32
        %dma_wait3A_589 = tpu.memref_slice %arg4[%add3A_577, %dma_wait3A_588] : memref<1024x49152xf32, #tpu.memory_space<hbm>> -> memref<1x12288xf32, #tpu.memory_space<hbm>>
        %dma_wait3A_590 = arith.constant 0 : i32
        %dma_wait3A_591 = arith.constant 0 : i32
        %dma_wait3A_592 = tpu.memref_slice %arg6[%dma_wait3A_578, %dma_wait3A_590, %dma_wait3A_591] : memref<8x1x12288xf32, #tpu.memory_space<vmem>> -> memref<1x1x12288xf32, #tpu.memory_space<vmem>>
        %dma_wait3A_593 = tpu.memref_squeeze %dma_wait3A_592 : memref<1x1x12288xf32, #tpu.memory_space<vmem>> -> memref<1x12288xf32, #tpu.memory_space<vmem>>
        tpu.wait_dma2 semaphore(%dma_wait3A_587 : memref<!tpu.dma_semaphore, #tpu.memory_space<semaphore_mem>>) src(%dma_wait3A_593 : memref<1x12288xf32, #tpu.memory_space<vmem>>) dst(%dma_wait3A_589 : memref<1x12288xf32, #tpu.memory_space<hbm>>)
      } else {
      }
      %dma_start3A_406 = arith.constant 3 : i32
      %dma_start3A_407 = arith.constant 3 : i32
      %dma_start3A_408 = arith.constant 0 : i32
      %dma_start3A_409 = arith.constant 0 : i32
      %dma_start3A_410 = tpu.memref_slice %arg6[%dma_start3A_406, %dma_start3A_408, %dma_start3A_409] : memref<8x1x12288xf32, #tpu.memory_space<vmem>> -> memref<1x1x12288xf32, #tpu.memory_space<vmem>>
      %dma_start3A_411 = tpu.memref_squeeze %dma_start3A_410 : memref<1x1x12288xf32, #tpu.memory_space<vmem>> -> memref<1x12288xf32, #tpu.memory_space<vmem>>
      %dma_start3A_412 = arith.constant 0 : i32
      %dma_start3A_413 = tpu.memref_slice %arg5[%add3A_400, %dma_start3A_412] : memref<32x1xi32, #tpu.memory_space<vmem>> -> memref<1x1xi32, #tpu.memory_space<vmem>>
      %dma_start3A_414 = tpu.memref_squeeze %dma_start3A_413 : memref<1x1xi32, #tpu.memory_space<vmem>> -> memref<1xi32, #tpu.memory_space<vmem>>
      %dma_start3A_415 = arith.constant 0 : i32
      %dma_start3A_416 = arith.constant 36864 : i32
      %dma_start3A_417 = tpu.memref_slice %arg3[%dma_start3A_415, %dma_start3A_416] : memref<128x49152xf32, #tpu.memory_space<hbm>> -> memref<128x12288xf32, #tpu.memory_space<hbm>>
      %dma_start3A_418 = tpu.memref_slice %arg7[%dma_start3A_407] : memref<8x!tpu.dma_semaphore, #tpu.memory_space<semaphore_mem>> -> memref<1x!tpu.dma_semaphore, #tpu.memory_space<semaphore_mem>>
      %dma_start3A_419 = tpu.memref_squeeze %dma_start3A_418 : memref<1x!tpu.dma_semaphore, #tpu.memory_space<semaphore_mem>> -> memref<!tpu.dma_semaphore, #tpu.memory_space<semaphore_mem>>
      tpu.enqueue_indirect_dma source(%dma_start3A_417 : memref<128x12288xf32, #tpu.memory_space<hbm>>) target(%dma_start3A_411 : memref<1x12288xf32, #tpu.memory_space<vmem>>) offsets(%dma_start3A_414 : memref<1xi32, #tpu.memory_space<vmem>>) semaphore(%dma_start3A_419 : memref<!tpu.dma_semaphore, #tpu.memory_space<semaphore_mem>>)
      %mul3A_420 = arith.constant 2 : i32
      %mul3A_421 = arith.muli %mul3A_420, %scan3A_282 : i32
      %sub3A_422 = arith.constant 1 : i32
      %sub3A_423 = arith.subi %mul3A_421, %sub3A_422 : i32
      %sub3A_424 = arith.constant 4 : i32
      %sub3A_425 = arith.subi %add3A_396, %sub3A_424 : i32
      %ge3A_426 = arith.constant 0 : i32
      %ge3A_427 = arith.cmpi sge, %sub3A_425, %ge3A_426 : i32
      %convert_element_type3A_428 = arith.extui %ge3A_427 : i1 to i32
      %cond3A_429 = arith.constant 0 : i32
      %cond3A_430 = arith.cmpi ne, %convert_element_type3A_428, %cond3A_429 : i32
      scf.if %cond3A_430 {
        %dma_wait3A_575 = arith.constant 7 : i32
        %dma_wait3A_576 = arith.constant 7 : i32
        %dma_wait3A_577 = arith.constant 0 : i32
        %dma_wait3A_578 = arith.constant 0 : i32
        %dma_wait3A_579 = tpu.memref_slice %arg6[%dma_wait3A_575, %dma_wait3A_577, %dma_wait3A_578] : memref<8x1x12288xf32, #tpu.memory_space<vmem>> -> memref<1x1x12288xf32, #tpu.memory_space<vmem>>
        %dma_wait3A_580 = tpu.memref_squeeze %dma_wait3A_579 : memref<1x1x12288xf32, #tpu.memory_space<vmem>> -> memref<1x12288xf32, #tpu.memory_space<vmem>>
        %dma_wait3A_581 = arith.constant 0 : i32
        %dma_wait3A_582 = tpu.memref_slice %arg5[%sub3A_423, %dma_wait3A_581] : memref<32x1xi32, #tpu.memory_space<vmem>> -> memref<1x1xi32, #tpu.memory_space<vmem>>
        %dma_wait3A_583 = tpu.memref_squeeze %dma_wait3A_582 : memref<1x1xi32, #tpu.memory_space<vmem>> -> memref<1xi32, #tpu.memory_space<vmem>>
        %dma_wait3A_584 = arith.constant 0 : i32
        %dma_wait3A_585 = arith.constant 36864 : i32
        %dma_wait3A_586 = tpu.memref_slice %arg3[%dma_wait3A_584, %dma_wait3A_585] : memref<128x49152xf32, #tpu.memory_space<hbm>> -> memref<128x12288xf32, #tpu.memory_space<hbm>>
        %dma_wait3A_587 = tpu.memref_slice %arg7[%dma_wait3A_576] : memref<8x!tpu.dma_semaphore, #tpu.memory_space<semaphore_mem>> -> memref<1x!tpu.dma_semaphore, #tpu.memory_space<semaphore_mem>>
        %dma_wait3A_588 = tpu.memref_squeeze %dma_wait3A_587 : memref<1x!tpu.dma_semaphore, #tpu.memory_space<semaphore_mem>> -> memref<!tpu.dma_semaphore, #tpu.memory_space<semaphore_mem>>
        tpu.wait_indirect_dma semaphore(%dma_wait3A_588 : memref<!tpu.dma_semaphore, #tpu.memory_space<semaphore_mem>>) src(%dma_wait3A_586 : memref<128x12288xf32, #tpu.memory_space<hbm>>) dst(%dma_wait3A_580 : memref<1x12288xf32, #tpu.memory_space<vmem>>)
        %add3A_589 = arith.addi %mul3A_2, %sub3A_423 : i32
        %dma_start3A_590 = arith.constant 7 : i32
        %dma_start3A_591 = arith.constant 7 : i32
        %dma_start3A_592 = arith.constant 0 : i32
        %dma_start3A_593 = arith.constant 0 : i32
        %dma_start3A_594 = tpu.memref_slice %arg6[%dma_start3A_590, %dma_start3A_592, %dma_start3A_593] : memref<8x1x12288xf32, #tpu.memory_space<vmem>> -> memref<1x1x12288xf32, #tpu.memory_space<vmem>>
        %dma_start3A_595 = tpu.memref_squeeze %dma_start3A_594 : memref<1x1x12288xf32, #tpu.memory_space<vmem>> -> memref<1x12288xf32, #tpu.memory_space<vmem>>
        %dma_start3A_596 = arith.constant 36864 : i32
        %dma_start3A_597 = tpu.memref_slice %arg4[%add3A_589, %dma_start3A_596] : memref<1024x49152xf32, #tpu.memory_space<hbm>> -> memref<1x12288xf32, #tpu.memory_space<hbm>>
        %dma_start3A_598 = tpu.memref_slice %arg8[%dma_start3A_591] : memref<8x!tpu.dma_semaphore, #tpu.memory_space<semaphore_mem>> -> memref<1x!tpu.dma_semaphore, #tpu.memory_space<semaphore_mem>>
        %dma_start3A_599 = tpu.memref_squeeze %dma_start3A_598 : memref<1x!tpu.dma_semaphore, #tpu.memory_space<semaphore_mem>> -> memref<!tpu.dma_semaphore, #tpu.memory_space<semaphore_mem>>
        %dma_start3A_600 = arith.constant 36864 : i32
        %dma_start3A_601 = tpu.memref_slice %arg4[%add3A_589, %dma_start3A_600] : memref<1024x49152xf32, #tpu.memory_space<hbm>> -> memref<1x12288xf32, #tpu.memory_space<hbm>>
        %dma_start3A_602 = arith.constant 0 : i32
        %dma_start3A_603 = arith.constant 0 : i32
        %dma_start3A_604 = tpu.memref_slice %arg6[%dma_start3A_590, %dma_start3A_602, %dma_start3A_603] : memref<8x1x12288xf32, #tpu.memory_space<vmem>> -> memref<1x1x12288xf32, #tpu.memory_space<vmem>>
        %dma_start3A_605 = tpu.memref_squeeze %dma_start3A_604 : memref<1x1x12288xf32, #tpu.memory_space<vmem>> -> memref<1x12288xf32, #tpu.memory_space<vmem>>
        tpu.enqueue_dma source(%dma_start3A_605 : memref<1x12288xf32, #tpu.memory_space<vmem>>) target(%dma_start3A_601 : memref<1x12288xf32, #tpu.memory_space<hbm>>) target_semaphore(%dma_start3A_599 : memref<!tpu.dma_semaphore, #tpu.memory_space<semaphore_mem>>)
      } else {
      }
      %mul3A_431 = arith.constant 8 : i32
      %mul3A_432 = arith.muli %mul3A_431, %scan3A_282 : i32
      %add3A_433 = arith.constant 4 : i32
      %add3A_434 = arith.addi %mul3A_432, %add3A_433 : i32
      %mul3A_435 = arith.constant 2 : i32
      %mul3A_436 = arith.muli %mul3A_435, %scan3A_282 : i32
      %add3A_437 = arith.constant 1 : i32
      %add3A_438 = arith.addi %mul3A_436, %add3A_437 : i32
      %ge3A_439 = arith.constant 8 : i32
      %ge3A_440 = arith.cmpi sge, %add3A_434, %ge3A_439 : i32
      %convert_element_type3A_441 = arith.extui %ge3A_440 : i1 to i32
      %cond3A_442 = arith.constant 0 : i32
      %cond3A_443 = arith.cmpi ne, %convert_element_type3A_441, %cond3A_442 : i32
      scf.if %cond3A_443 {
        %sub3A_575 = arith.constant 2 : i32
        %sub3A_576 = arith.subi %add3A_438, %sub3A_575 : i32
        %add3A_577 = arith.addi %mul3A_2, %sub3A_576 : i32
        %dma_wait3A_578 = arith.constant 4 : i32
        %dma_wait3A_579 = arith.constant 4 : i32
        %dma_wait3A_580 = arith.constant 0 : i32
        %dma_wait3A_581 = arith.constant 0 : i32
        %dma_wait3A_582 = tpu.memref_slice %arg6[%dma_wait3A_578, %dma_wait3A_580, %dma_wait3A_581] : memref<8x1x12288xf32, #tpu.memory_space<vmem>> -> memref<1x1x12288xf32, #tpu.memory_space<vmem>>
        %dma_wait3A_583 = tpu.memref_squeeze %dma_wait3A_582 : memref<1x1x12288xf32, #tpu.memory_space<vmem>> -> memref<1x12288xf32, #tpu.memory_space<vmem>>
        %dma_wait3A_584 = arith.constant 0 : i32
        %dma_wait3A_585 = tpu.memref_slice %arg4[%add3A_577, %dma_wait3A_584] : memref<1024x49152xf32, #tpu.memory_space<hbm>> -> memref<1x12288xf32, #tpu.memory_space<hbm>>
        %dma_wait3A_586 = tpu.memref_slice %arg8[%dma_wait3A_579] : memref<8x!tpu.dma_semaphore, #tpu.memory_space<semaphore_mem>> -> memref<1x!tpu.dma_semaphore, #tpu.memory_space<semaphore_mem>>
        %dma_wait3A_587 = tpu.memref_squeeze %dma_wait3A_586 : memref<1x!tpu.dma_semaphore, #tpu.memory_space<semaphore_mem>> -> memref<!tpu.dma_semaphore, #tpu.memory_space<semaphore_mem>>
        %dma_wait3A_588 = arith.constant 0 : i32
        %dma_wait3A_589 = tpu.memref_slice %arg4[%add3A_577, %dma_wait3A_588] : memref<1024x49152xf32, #tpu.memory_space<hbm>> -> memref<1x12288xf32, #tpu.memory_space<hbm>>
        %dma_wait3A_590 = arith.constant 0 : i32
        %dma_wait3A_591 = arith.constant 0 : i32
        %dma_wait3A_592 = tpu.memref_slice %arg6[%dma_wait3A_578, %dma_wait3A_590, %dma_wait3A_591] : memref<8x1x12288xf32, #tpu.memory_space<vmem>> -> memref<1x1x12288xf32, #tpu.memory_space<vmem>>
        %dma_wait3A_593 = tpu.memref_squeeze %dma_wait3A_592 : memref<1x1x12288xf32, #tpu.memory_space<vmem>> -> memref<1x12288xf32, #tpu.memory_space<vmem>>
        tpu.wait_dma2 semaphore(%dma_wait3A_587 : memref<!tpu.dma_semaphore, #tpu.memory_space<semaphore_mem>>) src(%dma_wait3A_593 : memref<1x12288xf32, #tpu.memory_space<vmem>>) dst(%dma_wait3A_589 : memref<1x12288xf32, #tpu.memory_space<hbm>>)
      } else {
      }
      %dma_start3A_444 = arith.constant 4 : i32
      %dma_start3A_445 = arith.constant 4 : i32
      %dma_start3A_446 = arith.constant 0 : i32
      %dma_start3A_447 = arith.constant 0 : i32
      %dma_start3A_448 = tpu.memref_slice %arg6[%dma_start3A_444, %dma_start3A_446, %dma_start3A_447] : memref<8x1x12288xf32, #tpu.memory_space<vmem>> -> memref<1x1x12288xf32, #tpu.memory_space<vmem>>
      %dma_start3A_449 = tpu.memref_squeeze %dma_start3A_448 : memref<1x1x12288xf32, #tpu.memory_space<vmem>> -> memref<1x12288xf32, #tpu.memory_space<vmem>>
      %dma_start3A_450 = arith.constant 0 : i32
      %dma_start3A_451 = tpu.memref_slice %arg5[%add3A_438, %dma_start3A_450] : memref<32x1xi32, #tpu.memory_space<vmem>> -> memref<1x1xi32, #tpu.memory_space<vmem>>
      %dma_start3A_452 = tpu.memref_squeeze %dma_start3A_451 : memref<1x1xi32, #tpu.memory_space<vmem>> -> memref<1xi32, #tpu.memory_space<vmem>>
      %dma_start3A_453 = arith.constant 0 : i32
      %dma_start3A_454 = arith.constant 0 : i32
      %dma_start3A_455 = tpu.memref_slice %arg3[%dma_start3A_453, %dma_start3A_454] : memref<128x49152xf32, #tpu.memory_space<hbm>> -> memref<128x12288xf32, #tpu.memory_space<hbm>>
      %dma_start3A_456 = tpu.memref_slice %arg7[%dma_start3A_445] : memref<8x!tpu.dma_semaphore, #tpu.memory_space<semaphore_mem>> -> memref<1x!tpu.dma_semaphore, #tpu.memory_space<semaphore_mem>>
      %dma_start3A_457 = tpu.memref_squeeze %dma_start3A_456 : memref<1x!tpu.dma_semaphore, #tpu.memory_space<semaphore_mem>> -> memref<!tpu.dma_semaphore, #tpu.memory_space<semaphore_mem>>
      tpu.enqueue_indirect_dma source(%dma_start3A_455 : memref<128x12288xf32, #tpu.memory_space<hbm>>) target(%dma_start3A_449 : memref<1x12288xf32, #tpu.memory_space<vmem>>) offsets(%dma_start3A_452 : memref<1xi32, #tpu.memory_space<vmem>>) semaphore(%dma_start3A_457 : memref<!tpu.dma_semaphore, #tpu.memory_space<semaphore_mem>>)
      %mul3A_458 = arith.constant 2 : i32
      %mul3A_459 = arith.muli %mul3A_458, %scan3A_282 : i32
      %sub3A_460 = arith.constant 4 : i32
      %sub3A_461 = arith.subi %add3A_434, %sub3A_460 : i32
      %ge3A_462 = arith.constant 0 : i32
      %ge3A_463 = arith.cmpi sge, %sub3A_461, %ge3A_462 : i32
      %convert_element_type3A_464 = arith.extui %ge3A_463 : i1 to i32
      %cond3A_465 = arith.constant 0 : i32
      %cond3A_466 = arith.cmpi ne, %convert_element_type3A_464, %cond3A_465 : i32
      scf.if %cond3A_466 {
        %dma_wait3A_575 = arith.constant 0 : i32
        %dma_wait3A_576 = arith.constant 0 : i32
        %dma_wait3A_577 = arith.constant 0 : i32
        %dma_wait3A_578 = arith.constant 0 : i32
        %dma_wait3A_579 = tpu.memref_slice %arg6[%dma_wait3A_575, %dma_wait3A_577, %dma_wait3A_578] : memref<8x1x12288xf32, #tpu.memory_space<vmem>> -> memref<1x1x12288xf32, #tpu.memory_space<vmem>>
        %dma_wait3A_580 = tpu.memref_squeeze %dma_wait3A_579 : memref<1x1x12288xf32, #tpu.memory_space<vmem>> -> memref<1x12288xf32, #tpu.memory_space<vmem>>
        %dma_wait3A_581 = arith.constant 0 : i32
        %dma_wait3A_582 = tpu.memref_slice %arg5[%mul3A_459, %dma_wait3A_581] : memref<32x1xi32, #tpu.memory_space<vmem>> -> memref<1x1xi32, #tpu.memory_space<vmem>>
        %dma_wait3A_583 = tpu.memref_squeeze %dma_wait3A_582 : memref<1x1xi32, #tpu.memory_space<vmem>> -> memref<1xi32, #tpu.memory_space<vmem>>
        %dma_wait3A_584 = arith.constant 0 : i32
        %dma_wait3A_585 = arith.constant 0 : i32
        %dma_wait3A_586 = tpu.memref_slice %arg3[%dma_wait3A_584, %dma_wait3A_585] : memref<128x49152xf32, #tpu.memory_space<hbm>> -> memref<128x12288xf32, #tpu.memory_space<hbm>>
        %dma_wait3A_587 = tpu.memref_slice %arg7[%dma_wait3A_576] : memref<8x!tpu.dma_semaphore, #tpu.memory_space<semaphore_mem>> -> memref<1x!tpu.dma_semaphore, #tpu.memory_space<semaphore_mem>>
        %dma_wait3A_588 = tpu.memref_squeeze %dma_wait3A_587 : memref<1x!tpu.dma_semaphore, #tpu.memory_space<semaphore_mem>> -> memref<!tpu.dma_semaphore, #tpu.memory_space<semaphore_mem>>
        tpu.wait_indirect_dma semaphore(%dma_wait3A_588 : memref<!tpu.dma_semaphore, #tpu.memory_space<semaphore_mem>>) src(%dma_wait3A_586 : memref<128x12288xf32, #tpu.memory_space<hbm>>) dst(%dma_wait3A_580 : memref<1x12288xf32, #tpu.memory_space<vmem>>)
        %add3A_589 = arith.addi %mul3A_2, %mul3A_459 : i32
        %dma_start3A_590 = arith.constant 0 : i32
        %dma_start3A_591 = arith.constant 0 : i32
        %dma_start3A_592 = arith.constant 0 : i32
        %dma_start3A_593 = arith.constant 0 : i32
        %dma_start3A_594 = tpu.memref_slice %arg6[%dma_start3A_590, %dma_start3A_592, %dma_start3A_593] : memref<8x1x12288xf32, #tpu.memory_space<vmem>> -> memref<1x1x12288xf32, #tpu.memory_space<vmem>>
        %dma_start3A_595 = tpu.memref_squeeze %dma_start3A_594 : memref<1x1x12288xf32, #tpu.memory_space<vmem>> -> memref<1x12288xf32, #tpu.memory_space<vmem>>
        %dma_start3A_596 = arith.constant 0 : i32
        %dma_start3A_597 = tpu.memref_slice %arg4[%add3A_589, %dma_start3A_596] : memref<1024x49152xf32, #tpu.memory_space<hbm>> -> memref<1x12288xf32, #tpu.memory_space<hbm>>
        %dma_start3A_598 = tpu.memref_slice %arg8[%dma_start3A_591] : memref<8x!tpu.dma_semaphore, #tpu.memory_space<semaphore_mem>> -> memref<1x!tpu.dma_semaphore, #tpu.memory_space<semaphore_mem>>
        %dma_start3A_599 = tpu.memref_squeeze %dma_start3A_598 : memref<1x!tpu.dma_semaphore, #tpu.memory_space<semaphore_mem>> -> memref<!tpu.dma_semaphore, #tpu.memory_space<semaphore_mem>>
        %dma_start3A_600 = arith.constant 0 : i32
        %dma_start3A_601 = tpu.memref_slice %arg4[%add3A_589, %dma_start3A_600] : memref<1024x49152xf32, #tpu.memory_space<hbm>> -> memref<1x12288xf32, #tpu.memory_space<hbm>>
        %dma_start3A_602 = arith.constant 0 : i32
        %dma_start3A_603 = arith.constant 0 : i32
        %dma_start3A_604 = tpu.memref_slice %arg6[%dma_start3A_590, %dma_start3A_602, %dma_start3A_603] : memref<8x1x12288xf32, #tpu.memory_space<vmem>> -> memref<1x1x12288xf32, #tpu.memory_space<vmem>>
        %dma_start3A_605 = tpu.memref_squeeze %dma_start3A_604 : memref<1x1x12288xf32, #tpu.memory_space<vmem>> -> memref<1x12288xf32, #tpu.memory_space<vmem>>
        tpu.enqueue_dma source(%dma_start3A_605 : memref<1x12288xf32, #tpu.memory_space<vmem>>) target(%dma_start3A_601 : memref<1x12288xf32, #tpu.memory_space<hbm>>) target_semaphore(%dma_start3A_599 : memref<!tpu.dma_semaphore, #tpu.memory_space<semaphore_mem>>)
      } else {
      }
      %mul3A_467 = arith.constant 8 : i32
      %mul3A_468 = arith.muli %mul3A_467, %scan3A_282 : i32
      %add3A_469 = arith.constant 5 : i32
      %add3A_470 = arith.addi %mul3A_468, %add3A_469 : i32
      %mul3A_471 = arith.constant 2 : i32
      %mul3A_472 = arith.muli %mul3A_471, %scan3A_282 : i32
      %add3A_473 = arith.constant 1 : i32
      %add3A_474 = arith.addi %mul3A_472, %add3A_473 : i32
      %ge3A_475 = arith.constant 8 : i32
      %ge3A_476 = arith.cmpi sge, %add3A_470, %ge3A_475 : i32
      %convert_element_type3A_477 = arith.extui %ge3A_476 : i1 to i32
      %cond3A_478 = arith.constant 0 : i32
      %cond3A_479 = arith.cmpi ne, %convert_element_type3A_477, %cond3A_478 : i32
      scf.if %cond3A_479 {
        %sub3A_575 = arith.constant 2 : i32
        %sub3A_576 = arith.subi %add3A_474, %sub3A_575 : i32
        %add3A_577 = arith.addi %mul3A_2, %sub3A_576 : i32
        %dma_wait3A_578 = arith.constant 5 : i32
        %dma_wait3A_579 = arith.constant 5 : i32
        %dma_wait3A_580 = arith.constant 0 : i32
        %dma_wait3A_581 = arith.constant 0 : i32
        %dma_wait3A_582 = tpu.memref_slice %arg6[%dma_wait3A_578, %dma_wait3A_580, %dma_wait3A_581] : memref<8x1x12288xf32, #tpu.memory_space<vmem>> -> memref<1x1x12288xf32, #tpu.memory_space<vmem>>
        %dma_wait3A_583 = tpu.memref_squeeze %dma_wait3A_582 : memref<1x1x12288xf32, #tpu.memory_space<vmem>> -> memref<1x12288xf32, #tpu.memory_space<vmem>>
        %dma_wait3A_584 = arith.constant 12288 : i32
        %dma_wait3A_585 = tpu.memref_slice %arg4[%add3A_577, %dma_wait3A_584] : memref<1024x49152xf32, #tpu.memory_space<hbm>> -> memref<1x12288xf32, #tpu.memory_space<hbm>>
        %dma_wait3A_586 = tpu.memref_slice %arg8[%dma_wait3A_579] : memref<8x!tpu.dma_semaphore, #tpu.memory_space<semaphore_mem>> -> memref<1x!tpu.dma_semaphore, #tpu.memory_space<semaphore_mem>>
        %dma_wait3A_587 = tpu.memref_squeeze %dma_wait3A_586 : memref<1x!tpu.dma_semaphore, #tpu.memory_space<semaphore_mem>> -> memref<!tpu.dma_semaphore, #tpu.memory_space<semaphore_mem>>
        %dma_wait3A_588 = arith.constant 12288 : i32
        %dma_wait3A_589 = tpu.memref_slice %arg4[%add3A_577, %dma_wait3A_588] : memref<1024x49152xf32, #tpu.memory_space<hbm>> -> memref<1x12288xf32, #tpu.memory_space<hbm>>
        %dma_wait3A_590 = arith.constant 0 : i32
        %dma_wait3A_591 = arith.constant 0 : i32
        %dma_wait3A_592 = tpu.memref_slice %arg6[%dma_wait3A_578, %dma_wait3A_590, %dma_wait3A_591] : memref<8x1x12288xf32, #tpu.memory_space<vmem>> -> memref<1x1x12288xf32, #tpu.memory_space<vmem>>
        %dma_wait3A_593 = tpu.memref_squeeze %dma_wait3A_592 : memref<1x1x12288xf32, #tpu.memory_space<vmem>> -> memref<1x12288xf32, #tpu.memory_space<vmem>>
        tpu.wait_dma2 semaphore(%dma_wait3A_587 : memref<!tpu.dma_semaphore, #tpu.memory_space<semaphore_mem>>) src(%dma_wait3A_593 : memref<1x12288xf32, #tpu.memory_space<vmem>>) dst(%dma_wait3A_589 : memref<1x12288xf32, #tpu.memory_space<hbm>>)
      } else {
      }
      %dma_start3A_480 = arith.constant 5 : i32
      %dma_start3A_481 = arith.constant 5 : i32
      %dma_start3A_482 = arith.constant 0 : i32
      %dma_start3A_483 = arith.constant 0 : i32
      %dma_start3A_484 = tpu.memref_slice %arg6[%dma_start3A_480, %dma_start3A_482, %dma_start3A_483] : memref<8x1x12288xf32, #tpu.memory_space<vmem>> -> memref<1x1x12288xf32, #tpu.memory_space<vmem>>
      %dma_start3A_485 = tpu.memref_squeeze %dma_start3A_484 : memref<1x1x12288xf32, #tpu.memory_space<vmem>> -> memref<1x12288xf32, #tpu.memory_space<vmem>>
      %dma_start3A_486 = arith.constant 0 : i32
      %dma_start3A_487 = tpu.memref_slice %arg5[%add3A_474, %dma_start3A_486] : memref<32x1xi32, #tpu.memory_space<vmem>> -> memref<1x1xi32, #tpu.memory_space<vmem>>
      %dma_start3A_488 = tpu.memref_squeeze %dma_start3A_487 : memref<1x1xi32, #tpu.memory_space<vmem>> -> memref<1xi32, #tpu.memory_space<vmem>>
      %dma_start3A_489 = arith.constant 0 : i32
      %dma_start3A_490 = arith.constant 12288 : i32
      %dma_start3A_491 = tpu.memref_slice %arg3[%dma_start3A_489, %dma_start3A_490] : memref<128x49152xf32, #tpu.memory_space<hbm>> -> memref<128x12288xf32, #tpu.memory_space<hbm>>
      %dma_start3A_492 = tpu.memref_slice %arg7[%dma_start3A_481] : memref<8x!tpu.dma_semaphore, #tpu.memory_space<semaphore_mem>> -> memref<1x!tpu.dma_semaphore, #tpu.memory_space<semaphore_mem>>
      %dma_start3A_493 = tpu.memref_squeeze %dma_start3A_492 : memref<1x!tpu.dma_semaphore, #tpu.memory_space<semaphore_mem>> -> memref<!tpu.dma_semaphore, #tpu.memory_space<semaphore_mem>>
      tpu.enqueue_indirect_dma source(%dma_start3A_491 : memref<128x12288xf32, #tpu.memory_space<hbm>>) target(%dma_start3A_485 : memref<1x12288xf32, #tpu.memory_space<vmem>>) offsets(%dma_start3A_488 : memref<1xi32, #tpu.memory_space<vmem>>) semaphore(%dma_start3A_493 : memref<!tpu.dma_semaphore, #tpu.memory_space<semaphore_mem>>)
      %mul3A_494 = arith.constant 2 : i32
      %mul3A_495 = arith.muli %mul3A_494, %scan3A_282 : i32
      %sub3A_496 = arith.constant 4 : i32
      %sub3A_497 = arith.subi %add3A_470, %sub3A_496 : i32
      %ge3A_498 = arith.constant 0 : i32
      %ge3A_499 = arith.cmpi sge, %sub3A_497, %ge3A_498 : i32
      %convert_element_type3A_500 = arith.extui %ge3A_499 : i1 to i32
      %cond3A_501 = arith.constant 0 : i32
      %cond3A_502 = arith.cmpi ne, %convert_element_type3A_500, %cond3A_501 : i32
      scf.if %cond3A_502 {
        %dma_wait3A_575 = arith.constant 1 : i32
        %dma_wait3A_576 = arith.constant 1 : i32
        %dma_wait3A_577 = arith.constant 0 : i32
        %dma_wait3A_578 = arith.constant 0 : i32
        %dma_wait3A_579 = tpu.memref_slice %arg6[%dma_wait3A_575, %dma_wait3A_577, %dma_wait3A_578] : memref<8x1x12288xf32, #tpu.memory_space<vmem>> -> memref<1x1x12288xf32, #tpu.memory_space<vmem>>
        %dma_wait3A_580 = tpu.memref_squeeze %dma_wait3A_579 : memref<1x1x12288xf32, #tpu.memory_space<vmem>> -> memref<1x12288xf32, #tpu.memory_space<vmem>>
        %dma_wait3A_581 = arith.constant 0 : i32
        %dma_wait3A_582 = tpu.memref_slice %arg5[%mul3A_495, %dma_wait3A_581] : memref<32x1xi32, #tpu.memory_space<vmem>> -> memref<1x1xi32, #tpu.memory_space<vmem>>
        %dma_wait3A_583 = tpu.memref_squeeze %dma_wait3A_582 : memref<1x1xi32, #tpu.memory_space<vmem>> -> memref<1xi32, #tpu.memory_space<vmem>>
        %dma_wait3A_584 = arith.constant 0 : i32
        %dma_wait3A_585 = arith.constant 12288 : i32
        %dma_wait3A_586 = tpu.memref_slice %arg3[%dma_wait3A_584, %dma_wait3A_585] : memref<128x49152xf32, #tpu.memory_space<hbm>> -> memref<128x12288xf32, #tpu.memory_space<hbm>>
        %dma_wait3A_587 = tpu.memref_slice %arg7[%dma_wait3A_576] : memref<8x!tpu.dma_semaphore, #tpu.memory_space<semaphore_mem>> -> memref<1x!tpu.dma_semaphore, #tpu.memory_space<semaphore_mem>>
        %dma_wait3A_588 = tpu.memref_squeeze %dma_wait3A_587 : memref<1x!tpu.dma_semaphore, #tpu.memory_space<semaphore_mem>> -> memref<!tpu.dma_semaphore, #tpu.memory_space<semaphore_mem>>
        tpu.wait_indirect_dma semaphore(%dma_wait3A_588 : memref<!tpu.dma_semaphore, #tpu.memory_space<semaphore_mem>>) src(%dma_wait3A_586 : memref<128x12288xf32, #tpu.memory_space<hbm>>) dst(%dma_wait3A_580 : memref<1x12288xf32, #tpu.memory_space<vmem>>)
        %add3A_589 = arith.addi %mul3A_2, %mul3A_495 : i32
        %dma_start3A_590 = arith.constant 1 : i32
        %dma_start3A_591 = arith.constant 1 : i32
        %dma_start3A_592 = arith.constant 0 : i32
        %dma_start3A_593 = arith.constant 0 : i32
        %dma_start3A_594 = tpu.memref_slice %arg6[%dma_start3A_590, %dma_start3A_592, %dma_start3A_593] : memref<8x1x12288xf32, #tpu.memory_space<vmem>> -> memref<1x1x12288xf32, #tpu.memory_space<vmem>>
        %dma_start3A_595 = tpu.memref_squeeze %dma_start3A_594 : memref<1x1x12288xf32, #tpu.memory_space<vmem>> -> memref<1x12288xf32, #tpu.memory_space<vmem>>
        %dma_start3A_596 = arith.constant 12288 : i32
        %dma_start3A_597 = tpu.memref_slice %arg4[%add3A_589, %dma_start3A_596] : memref<1024x49152xf32, #tpu.memory_space<hbm>> -> memref<1x12288xf32, #tpu.memory_space<hbm>>
        %dma_start3A_598 = tpu.memref_slice %arg8[%dma_start3A_591] : memref<8x!tpu.dma_semaphore, #tpu.memory_space<semaphore_mem>> -> memref<1x!tpu.dma_semaphore, #tpu.memory_space<semaphore_mem>>
        %dma_start3A_599 = tpu.memref_squeeze %dma_start3A_598 : memref<1x!tpu.dma_semaphore, #tpu.memory_space<semaphore_mem>> -> memref<!tpu.dma_semaphore, #tpu.memory_space<semaphore_mem>>
        %dma_start3A_600 = arith.constant 12288 : i32
        %dma_start3A_601 = tpu.memref_slice %arg4[%add3A_589, %dma_start3A_600] : memref<1024x49152xf32, #tpu.memory_space<hbm>> -> memref<1x12288xf32, #tpu.memory_space<hbm>>
        %dma_start3A_602 = arith.constant 0 : i32
        %dma_start3A_603 = arith.constant 0 : i32
        %dma_start3A_604 = tpu.memref_slice %arg6[%dma_start3A_590, %dma_start3A_602, %dma_start3A_603] : memref<8x1x12288xf32, #tpu.memory_space<vmem>> -> memref<1x1x12288xf32, #tpu.memory_space<vmem>>
        %dma_start3A_605 = tpu.memref_squeeze %dma_start3A_604 : memref<1x1x12288xf32, #tpu.memory_space<vmem>> -> memref<1x12288xf32, #tpu.memory_space<vmem>>
        tpu.enqueue_dma source(%dma_start3A_605 : memref<1x12288xf32, #tpu.memory_space<vmem>>) target(%dma_start3A_601 : memref<1x12288xf32, #tpu.memory_space<hbm>>) target_semaphore(%dma_start3A_599 : memref<!tpu.dma_semaphore, #tpu.memory_space<semaphore_mem>>)
      } else {
      }
      %mul3A_503 = arith.constant 8 : i32
      %mul3A_504 = arith.muli %mul3A_503, %scan3A_282 : i32
      %add3A_505 = arith.constant 6 : i32
      %add3A_506 = arith.addi %mul3A_504, %add3A_505 : i32
      %mul3A_507 = arith.constant 2 : i32
      %mul3A_508 = arith.muli %mul3A_507, %scan3A_282 : i32
      %add3A_509 = arith.constant 1 : i32
      %add3A_510 = arith.addi %mul3A_508, %add3A_509 : i32
      %ge3A_511 = arith.constant 8 : i32
      %ge3A_512 = arith.cmpi sge, %add3A_506, %ge3A_511 : i32
      %convert_element_type3A_513 = arith.extui %ge3A_512 : i1 to i32
      %cond3A_514 = arith.constant 0 : i32
      %cond3A_515 = arith.cmpi ne, %convert_element_type3A_513, %cond3A_514 : i32
      scf.if %cond3A_515 {
        %sub3A_575 = arith.constant 2 : i32
        %sub3A_576 = arith.subi %add3A_510, %sub3A_575 : i32
        %add3A_577 = arith.addi %mul3A_2, %sub3A_576 : i32
        %dma_wait3A_578 = arith.constant 6 : i32
        %dma_wait3A_579 = arith.constant 6 : i32
        %dma_wait3A_580 = arith.constant 0 : i32
        %dma_wait3A_581 = arith.constant 0 : i32
        %dma_wait3A_582 = tpu.memref_slice %arg6[%dma_wait3A_578, %dma_wait3A_580, %dma_wait3A_581] : memref<8x1x12288xf32, #tpu.memory_space<vmem>> -> memref<1x1x12288xf32, #tpu.memory_space<vmem>>
        %dma_wait3A_583 = tpu.memref_squeeze %dma_wait3A_582 : memref<1x1x12288xf32, #tpu.memory_space<vmem>> -> memref<1x12288xf32, #tpu.memory_space<vmem>>
        %dma_wait3A_584 = arith.constant 24576 : i32
        %dma_wait3A_585 = tpu.memref_slice %arg4[%add3A_577, %dma_wait3A_584] : memref<1024x49152xf32, #tpu.memory_space<hbm>> -> memref<1x12288xf32, #tpu.memory_space<hbm>>
        %dma_wait3A_586 = tpu.memref_slice %arg8[%dma_wait3A_579] : memref<8x!tpu.dma_semaphore, #tpu.memory_space<semaphore_mem>> -> memref<1x!tpu.dma_semaphore, #tpu.memory_space<semaphore_mem>>
        %dma_wait3A_587 = tpu.memref_squeeze %dma_wait3A_586 : memref<1x!tpu.dma_semaphore, #tpu.memory_space<semaphore_mem>> -> memref<!tpu.dma_semaphore, #tpu.memory_space<semaphore_mem>>
        %dma_wait3A_588 = arith.constant 24576 : i32
        %dma_wait3A_589 = tpu.memref_slice %arg4[%add3A_577, %dma_wait3A_588] : memref<1024x49152xf32, #tpu.memory_space<hbm>> -> memref<1x12288xf32, #tpu.memory_space<hbm>>
        %dma_wait3A_590 = arith.constant 0 : i32
        %dma_wait3A_591 = arith.constant 0 : i32
        %dma_wait3A_592 = tpu.memref_slice %arg6[%dma_wait3A_578, %dma_wait3A_590, %dma_wait3A_591] : memref<8x1x12288xf32, #tpu.memory_space<vmem>> -> memref<1x1x12288xf32, #tpu.memory_space<vmem>>
        %dma_wait3A_593 = tpu.memref_squeeze %dma_wait3A_592 : memref<1x1x12288xf32, #tpu.memory_space<vmem>> -> memref<1x12288xf32, #tpu.memory_space<vmem>>
        tpu.wait_dma2 semaphore(%dma_wait3A_587 : memref<!tpu.dma_semaphore, #tpu.memory_space<semaphore_mem>>) src(%dma_wait3A_593 : memref<1x12288xf32, #tpu.memory_space<vmem>>) dst(%dma_wait3A_589 : memref<1x12288xf32, #tpu.memory_space<hbm>>)
      } else {
      }
      %dma_start3A_516 = arith.constant 6 : i32
      %dma_start3A_517 = arith.constant 6 : i32
      %dma_start3A_518 = arith.constant 0 : i32
      %dma_start3A_519 = arith.constant 0 : i32
      %dma_start3A_520 = tpu.memref_slice %arg6[%dma_start3A_516, %dma_start3A_518, %dma_start3A_519] : memref<8x1x12288xf32, #tpu.memory_space<vmem>> -> memref<1x1x12288xf32, #tpu.memory_space<vmem>>
      %dma_start3A_521 = tpu.memref_squeeze %dma_start3A_520 : memref<1x1x12288xf32, #tpu.memory_space<vmem>> -> memref<1x12288xf32, #tpu.memory_space<vmem>>
      %dma_start3A_522 = arith.constant 0 : i32
      %dma_start3A_523 = tpu.memref_slice %arg5[%add3A_510, %dma_start3A_522] : memref<32x1xi32, #tpu.memory_space<vmem>> -> memref<1x1xi32, #tpu.memory_space<vmem>>
      %dma_start3A_524 = tpu.memref_squeeze %dma_start3A_523 : memref<1x1xi32, #tpu.memory_space<vmem>> -> memref<1xi32, #tpu.memory_space<vmem>>
      %dma_start3A_525 = arith.constant 0 : i32
      %dma_start3A_526 = arith.constant 24576 : i32
      %dma_start3A_527 = tpu.memref_slice %arg3[%dma_start3A_525, %dma_start3A_526] : memref<128x49152xf32, #tpu.memory_space<hbm>> -> memref<128x12288xf32, #tpu.memory_space<hbm>>
      %dma_start3A_528 = tpu.memref_slice %arg7[%dma_start3A_517] : memref<8x!tpu.dma_semaphore, #tpu.memory_space<semaphore_mem>> -> memref<1x!tpu.dma_semaphore, #tpu.memory_space<semaphore_mem>>
      %dma_start3A_529 = tpu.memref_squeeze %dma_start3A_528 : memref<1x!tpu.dma_semaphore, #tpu.memory_space<semaphore_mem>> -> memref<!tpu.dma_semaphore, #tpu.memory_space<semaphore_mem>>
      tpu.enqueue_indirect_dma source(%dma_start3A_527 : memref<128x12288xf32, #tpu.memory_space<hbm>>) target(%dma_start3A_521 : memref<1x12288xf32, #tpu.memory_space<vmem>>) offsets(%dma_start3A_524 : memref<1xi32, #tpu.memory_space<vmem>>) semaphore(%dma_start3A_529 : memref<!tpu.dma_semaphore, #tpu.memory_space<semaphore_mem>>)
      %mul3A_530 = arith.constant 2 : i32
      %mul3A_531 = arith.muli %mul3A_530, %scan3A_282 : i32
      %sub3A_532 = arith.constant 4 : i32
      %sub3A_533 = arith.subi %add3A_506, %sub3A_532 : i32
      %ge3A_534 = arith.constant 0 : i32
      %ge3A_535 = arith.cmpi sge, %sub3A_533, %ge3A_534 : i32
      %convert_element_type3A_536 = arith.extui %ge3A_535 : i1 to i32
      %cond3A_537 = arith.constant 0 : i32
      %cond3A_538 = arith.cmpi ne, %convert_element_type3A_536, %cond3A_537 : i32
      scf.if %cond3A_538 {
        %dma_wait3A_575 = arith.constant 2 : i32
        %dma_wait3A_576 = arith.constant 2 : i32
        %dma_wait3A_577 = arith.constant 0 : i32
        %dma_wait3A_578 = arith.constant 0 : i32
        %dma_wait3A_579 = tpu.memref_slice %arg6[%dma_wait3A_575, %dma_wait3A_577, %dma_wait3A_578] : memref<8x1x12288xf32, #tpu.memory_space<vmem>> -> memref<1x1x12288xf32, #tpu.memory_space<vmem>>
        %dma_wait3A_580 = tpu.memref_squeeze %dma_wait3A_579 : memref<1x1x12288xf32, #tpu.memory_space<vmem>> -> memref<1x12288xf32, #tpu.memory_space<vmem>>
        %dma_wait3A_581 = arith.constant 0 : i32
        %dma_wait3A_582 = tpu.memref_slice %arg5[%mul3A_531, %dma_wait3A_581] : memref<32x1xi32, #tpu.memory_space<vmem>> -> memref<1x1xi32, #tpu.memory_space<vmem>>
        %dma_wait3A_583 = tpu.memref_squeeze %dma_wait3A_582 : memref<1x1xi32, #tpu.memory_space<vmem>> -> memref<1xi32, #tpu.memory_space<vmem>>
        %dma_wait3A_584 = arith.constant 0 : i32
        %dma_wait3A_585 = arith.constant 24576 : i32
        %dma_wait3A_586 = tpu.memref_slice %arg3[%dma_wait3A_584, %dma_wait3A_585] : memref<128x49152xf32, #tpu.memory_space<hbm>> -> memref<128x12288xf32, #tpu.memory_space<hbm>>
        %dma_wait3A_587 = tpu.memref_slice %arg7[%dma_wait3A_576] : memref<8x!tpu.dma_semaphore, #tpu.memory_space<semaphore_mem>> -> memref<1x!tpu.dma_semaphore, #tpu.memory_space<semaphore_mem>>
        %dma_wait3A_588 = tpu.memref_squeeze %dma_wait3A_587 : memref<1x!tpu.dma_semaphore, #tpu.memory_space<semaphore_mem>> -> memref<!tpu.dma_semaphore, #tpu.memory_space<semaphore_mem>>
        tpu.wait_indirect_dma semaphore(%dma_wait3A_588 : memref<!tpu.dma_semaphore, #tpu.memory_space<semaphore_mem>>) src(%dma_wait3A_586 : memref<128x12288xf32, #tpu.memory_space<hbm>>) dst(%dma_wait3A_580 : memref<1x12288xf32, #tpu.memory_space<vmem>>)
        %add3A_589 = arith.addi %mul3A_2, %mul3A_531 : i32
        %dma_start3A_590 = arith.constant 2 : i32
        %dma_start3A_591 = arith.constant 2 : i32
        %dma_start3A_592 = arith.constant 0 : i32
        %dma_start3A_593 = arith.constant 0 : i32
        %dma_start3A_594 = tpu.memref_slice %arg6[%dma_start3A_590, %dma_start3A_592, %dma_start3A_593] : memref<8x1x12288xf32, #tpu.memory_space<vmem>> -> memref<1x1x12288xf32, #tpu.memory_space<vmem>>
        %dma_start3A_595 = tpu.memref_squeeze %dma_start3A_594 : memref<1x1x12288xf32, #tpu.memory_space<vmem>> -> memref<1x12288xf32, #tpu.memory_space<vmem>>
        %dma_start3A_596 = arith.constant 24576 : i32
        %dma_start3A_597 = tpu.memref_slice %arg4[%add3A_589, %dma_start3A_596] : memref<1024x49152xf32, #tpu.memory_space<hbm>> -> memref<1x12288xf32, #tpu.memory_space<hbm>>
        %dma_start3A_598 = tpu.memref_slice %arg8[%dma_start3A_591] : memref<8x!tpu.dma_semaphore, #tpu.memory_space<semaphore_mem>> -> memref<1x!tpu.dma_semaphore, #tpu.memory_space<semaphore_mem>>
        %dma_start3A_599 = tpu.memref_squeeze %dma_start3A_598 : memref<1x!tpu.dma_semaphore, #tpu.memory_space<semaphore_mem>> -> memref<!tpu.dma_semaphore, #tpu.memory_space<semaphore_mem>>
        %dma_start3A_600 = arith.constant 24576 : i32
        %dma_start3A_601 = tpu.memref_slice %arg4[%add3A_589, %dma_start3A_600] : memref<1024x49152xf32, #tpu.memory_space<hbm>> -> memref<1x12288xf32, #tpu.memory_space<hbm>>
        %dma_start3A_602 = arith.constant 0 : i32
        %dma_start3A_603 = arith.constant 0 : i32
        %dma_start3A_604 = tpu.memref_slice %arg6[%dma_start3A_590, %dma_start3A_602, %dma_start3A_603] : memref<8x1x12288xf32, #tpu.memory_space<vmem>> -> memref<1x1x12288xf32, #tpu.memory_space<vmem>>
        %dma_start3A_605 = tpu.memref_squeeze %dma_start3A_604 : memref<1x1x12288xf32, #tpu.memory_space<vmem>> -> memref<1x12288xf32, #tpu.memory_space<vmem>>
        tpu.enqueue_dma source(%dma_start3A_605 : memref<1x12288xf32, #tpu.memory_space<vmem>>) target(%dma_start3A_601 : memref<1x12288xf32, #tpu.memory_space<hbm>>) target_semaphore(%dma_start3A_599 : memref<!tpu.dma_semaphore, #tpu.memory_space<semaphore_mem>>)
      } else {
      }
      %mul3A_539 = arith.constant 8 : i32
      %mul3A_540 = arith.muli %mul3A_539, %scan3A_282 : i32
      %add3A_541 = arith.constant 7 : i32
      %add3A_542 = arith.addi %mul3A_540, %add3A_541 : i32
      %mul3A_543 = arith.constant 2 : i32
      %mul3A_544 = arith.muli %mul3A_543, %scan3A_282 : i32
      %add3A_545 = arith.constant 1 : i32
      %add3A_546 = arith.addi %mul3A_544, %add3A_545 : i32
      %ge3A_547 = arith.constant 8 : i32
      %ge3A_548 = arith.cmpi sge, %add3A_542, %ge3A_547 : i32
      %convert_element_type3A_549 = arith.extui %ge3A_548 : i1 to i32
      %cond3A_550 = arith.constant 0 : i32
      %cond3A_551 = arith.cmpi ne, %convert_element_type3A_549, %cond3A_550 : i32
      scf.if %cond3A_551 {
        %sub3A_575 = arith.constant 2 : i32
        %sub3A_576 = arith.subi %add3A_546, %sub3A_575 : i32
        %add3A_577 = arith.addi %mul3A_2, %sub3A_576 : i32
        %dma_wait3A_578 = arith.constant 7 : i32
        %dma_wait3A_579 = arith.constant 7 : i32
        %dma_wait3A_580 = arith.constant 0 : i32
        %dma_wait3A_581 = arith.constant 0 : i32
        %dma_wait3A_582 = tpu.memref_slice %arg6[%dma_wait3A_578, %dma_wait3A_580, %dma_wait3A_581] : memref<8x1x12288xf32, #tpu.memory_space<vmem>> -> memref<1x1x12288xf32, #tpu.memory_space<vmem>>
        %dma_wait3A_583 = tpu.memref_squeeze %dma_wait3A_582 : memref<1x1x12288xf32, #tpu.memory_space<vmem>> -> memref<1x12288xf32, #tpu.memory_space<vmem>>
        %dma_wait3A_584 = arith.constant 36864 : i32
        %dma_wait3A_585 = tpu.memref_slice %arg4[%add3A_577, %dma_wait3A_584] : memref<1024x49152xf32, #tpu.memory_space<hbm>> -> memref<1x12288xf32, #tpu.memory_space<hbm>>
        %dma_wait3A_586 = tpu.memref_slice %arg8[%dma_wait3A_579] : memref<8x!tpu.dma_semaphore, #tpu.memory_space<semaphore_mem>> -> memref<1x!tpu.dma_semaphore, #tpu.memory_space<semaphore_mem>>
        %dma_wait3A_587 = tpu.memref_squeeze %dma_wait3A_586 : memref<1x!tpu.dma_semaphore, #tpu.memory_space<semaphore_mem>> -> memref<!tpu.dma_semaphore, #tpu.memory_space<semaphore_mem>>
        %dma_wait3A_588 = arith.constant 36864 : i32
        %dma_wait3A_589 = tpu.memref_slice %arg4[%add3A_577, %dma_wait3A_588] : memref<1024x49152xf32, #tpu.memory_space<hbm>> -> memref<1x12288xf32, #tpu.memory_space<hbm>>
        %dma_wait3A_590 = arith.constant 0 : i32
        %dma_wait3A_591 = arith.constant 0 : i32
        %dma_wait3A_592 = tpu.memref_slice %arg6[%dma_wait3A_578, %dma_wait3A_590, %dma_wait3A_591] : memref<8x1x12288xf32, #tpu.memory_space<vmem>> -> memref<1x1x12288xf32, #tpu.memory_space<vmem>>
        %dma_wait3A_593 = tpu.memref_squeeze %dma_wait3A_592 : memref<1x1x12288xf32, #tpu.memory_space<vmem>> -> memref<1x12288xf32, #tpu.memory_space<vmem>>
        tpu.wait_dma2 semaphore(%dma_wait3A_587 : memref<!tpu.dma_semaphore, #tpu.memory_space<semaphore_mem>>) src(%dma_wait3A_593 : memref<1x12288xf32, #tpu.memory_space<vmem>>) dst(%dma_wait3A_589 : memref<1x12288xf32, #tpu.memory_space<hbm>>)
      } else {
      }
      %dma_start3A_552 = arith.constant 7 : i32
      %dma_start3A_553 = arith.constant 7 : i32
      %dma_start3A_554 = arith.constant 0 : i32
      %dma_start3A_555 = arith.constant 0 : i32
      %dma_start3A_556 = tpu.memref_slice %arg6[%dma_start3A_552, %dma_start3A_554, %dma_start3A_555] : memref<8x1x12288xf32, #tpu.memory_space<vmem>> -> memref<1x1x12288xf32, #tpu.memory_space<vmem>>
      %dma_start3A_557 = tpu.memref_squeeze %dma_start3A_556 : memref<1x1x12288xf32, #tpu.memory_space<vmem>> -> memref<1x12288xf32, #tpu.memory_space<vmem>>
      %dma_start3A_558 = arith.constant 0 : i32
      %dma_start3A_559 = tpu.memref_slice %arg5[%add3A_546, %dma_start3A_558] : memref<32x1xi32, #tpu.memory_space<vmem>> -> memref<1x1xi32, #tpu.memory_space<vmem>>
      %dma_start3A_560 = tpu.memref_squeeze %dma_start3A_559 : memref<1x1xi32, #tpu.memory_space<vmem>> -> memref<1xi32, #tpu.memory_space<vmem>>
      %dma_start3A_561 = arith.constant 0 : i32
      %dma_start3A_562 = arith.constant 36864 : i32
      %dma_start3A_563 = tpu.memref_slice %arg3[%dma_start3A_561, %dma_start3A_562] : memref<128x49152xf32, #tpu.memory_space<hbm>> -> memref<128x12288xf32, #tpu.memory_space<hbm>>
      %dma_start3A_564 = tpu.memref_slice %arg7[%dma_start3A_553] : memref<8x!tpu.dma_semaphore, #tpu.memory_space<semaphore_mem>> -> memref<1x!tpu.dma_semaphore, #tpu.memory_space<semaphore_mem>>
      %dma_start3A_565 = tpu.memref_squeeze %dma_start3A_564 : memref<1x!tpu.dma_semaphore, #tpu.memory_space<semaphore_mem>> -> memref<!tpu.dma_semaphore, #tpu.memory_space<semaphore_mem>>
      tpu.enqueue_indirect_dma source(%dma_start3A_563 : memref<128x12288xf32, #tpu.memory_space<hbm>>) target(%dma_start3A_557 : memref<1x12288xf32, #tpu.memory_space<vmem>>) offsets(%dma_start3A_560 : memref<1xi32, #tpu.memory_space<vmem>>) semaphore(%dma_start3A_565 : memref<!tpu.dma_semaphore, #tpu.memory_space<semaphore_mem>>)
      %mul3A_566 = arith.constant 2 : i32
      %mul3A_567 = arith.muli %mul3A_566, %scan3A_282 : i32
      %sub3A_568 = arith.constant 4 : i32
      %sub3A_569 = arith.subi %add3A_542, %sub3A_568 : i32
      %ge3A_570 = arith.constant 0 : i32
      %ge3A_571 = arith.cmpi sge, %sub3A_569, %ge3A_570 : i32
      %convert_element_type3A_572 = arith.extui %ge3A_571 : i1 to i32
      %cond3A_573 = arith.constant 0 : i32
      %cond3A_574 = arith.cmpi ne, %convert_element_type3A_572, %cond3A_573 : i32
      scf.if %cond3A_574 {
        %dma_wait3A_575 = arith.constant 3 : i32
        %dma_wait3A_576 = arith.constant 3 : i32
        %dma_wait3A_577 = arith.constant 0 : i32
        %dma_wait3A_578 = arith.constant 0 : i32
        %dma_wait3A_579 = tpu.memref_slice %arg6[%dma_wait3A_575, %dma_wait3A_577, %dma_wait3A_578] : memref<8x1x12288xf32, #tpu.memory_space<vmem>> -> memref<1x1x12288xf32, #tpu.memory_space<vmem>>
        %dma_wait3A_580 = tpu.memref_squeeze %dma_wait3A_579 : memref<1x1x12288xf32, #tpu.memory_space<vmem>> -> memref<1x12288xf32, #tpu.memory_space<vmem>>
        %dma_wait3A_581 = arith.constant 0 : i32
        %dma_wait3A_582 = tpu.memref_slice %arg5[%mul3A_567, %dma_wait3A_581] : memref<32x1xi32, #tpu.memory_space<vmem>> -> memref<1x1xi32, #tpu.memory_space<vmem>>
        %dma_wait3A_583 = tpu.memref_squeeze %dma_wait3A_582 : memref<1x1xi32, #tpu.memory_space<vmem>> -> memref<1xi32, #tpu.memory_space<vmem>>
        %dma_wait3A_584 = arith.constant 0 : i32
        %dma_wait3A_585 = arith.constant 36864 : i32
        %dma_wait3A_586 = tpu.memref_slice %arg3[%dma_wait3A_584, %dma_wait3A_585] : memref<128x49152xf32, #tpu.memory_space<hbm>> -> memref<128x12288xf32, #tpu.memory_space<hbm>>
        %dma_wait3A_587 = tpu.memref_slice %arg7[%dma_wait3A_576] : memref<8x!tpu.dma_semaphore, #tpu.memory_space<semaphore_mem>> -> memref<1x!tpu.dma_semaphore, #tpu.memory_space<semaphore_mem>>
        %dma_wait3A_588 = tpu.memref_squeeze %dma_wait3A_587 : memref<1x!tpu.dma_semaphore, #tpu.memory_space<semaphore_mem>> -> memref<!tpu.dma_semaphore, #tpu.memory_space<semaphore_mem>>
        tpu.wait_indirect_dma semaphore(%dma_wait3A_588 : memref<!tpu.dma_semaphore, #tpu.memory_space<semaphore_mem>>) src(%dma_wait3A_586 : memref<128x12288xf32, #tpu.memory_space<hbm>>) dst(%dma_wait3A_580 : memref<1x12288xf32, #tpu.memory_space<vmem>>)
        %add3A_589 = arith.addi %mul3A_2, %mul3A_567 : i32
        %dma_start3A_590 = arith.constant 3 : i32
        %dma_start3A_591 = arith.constant 3 : i32
        %dma_start3A_592 = arith.constant 0 : i32
        %dma_start3A_593 = arith.constant 0 : i32
        %dma_start3A_594 = tpu.memref_slice %arg6[%dma_start3A_590, %dma_start3A_592, %dma_start3A_593] : memref<8x1x12288xf32, #tpu.memory_space<vmem>> -> memref<1x1x12288xf32, #tpu.memory_space<vmem>>
        %dma_start3A_595 = tpu.memref_squeeze %dma_start3A_594 : memref<1x1x12288xf32, #tpu.memory_space<vmem>> -> memref<1x12288xf32, #tpu.memory_space<vmem>>
        %dma_start3A_596 = arith.constant 36864 : i32
        %dma_start3A_597 = tpu.memref_slice %arg4[%add3A_589, %dma_start3A_596] : memref<1024x49152xf32, #tpu.memory_space<hbm>> -> memref<1x12288xf32, #tpu.memory_space<hbm>>
        %dma_start3A_598 = tpu.memref_slice %arg8[%dma_start3A_591] : memref<8x!tpu.dma_semaphore, #tpu.memory_space<semaphore_mem>> -> memref<1x!tpu.dma_semaphore, #tpu.memory_space<semaphore_mem>>
        %dma_start3A_599 = tpu.memref_squeeze %dma_start3A_598 : memref<1x!tpu.dma_semaphore, #tpu.memory_space<semaphore_mem>> -> memref<!tpu.dma_semaphore, #tpu.memory_space<semaphore_mem>>
        %dma_start3A_600 = arith.constant 36864 : i32
        %dma_start3A_601 = tpu.memref_slice %arg4[%add3A_589, %dma_start3A_600] : memref<1024x49152xf32, #tpu.memory_space<hbm>> -> memref<1x12288xf32, #tpu.memory_space<hbm>>
        %dma_start3A_602 = arith.constant 0 : i32
        %dma_start3A_603 = arith.constant 0 : i32
        %dma_start3A_604 = tpu.memref_slice %arg6[%dma_start3A_590, %dma_start3A_602, %dma_start3A_603] : memref<8x1x12288xf32, #tpu.memory_space<vmem>> -> memref<1x1x12288xf32, #tpu.memory_space<vmem>>
        %dma_start3A_605 = tpu.memref_squeeze %dma_start3A_604 : memref<1x1x12288xf32, #tpu.memory_space<vmem>> -> memref<1x12288xf32, #tpu.memory_space<vmem>>
        tpu.enqueue_dma source(%dma_start3A_605 : memref<1x12288xf32, #tpu.memory_space<vmem>>) target(%dma_start3A_601 : memref<1x12288xf32, #tpu.memory_space<hbm>>) target_semaphore(%dma_start3A_599 : memref<!tpu.dma_semaphore, #tpu.memory_space<semaphore_mem>>)
      } else {
      }
    }
    %scan3A_7 = arith.constant 16 : i32
    %dma_wait3A = arith.constant 31 : i32
    %dma_wait3A_8 = arith.constant 4 : i32
    %dma_wait3A_9 = arith.constant 4 : i32
    %dma_wait3A_10 = arith.constant 0 : i32
    %dma_wait3A_11 = arith.constant 0 : i32
    %dma_wait3A_12 = tpu.memref_slice %arg6[%dma_wait3A_8, %dma_wait3A_10, %dma_wait3A_11] : memref<8x1x12288xf32, #tpu.memory_space<vmem>> -> memref<1x1x12288xf32, #tpu.memory_space<vmem>>
    %dma_wait3A_13 = tpu.memref_squeeze %dma_wait3A_12 : memref<1x1x12288xf32, #tpu.memory_space<vmem>> -> memref<1x12288xf32, #tpu.memory_space<vmem>>
    %dma_wait3A_14 = arith.constant 0 : i32
    %dma_wait3A_15 = tpu.memref_slice %arg5[%dma_wait3A, %dma_wait3A_14] : memref<32x1xi32, #tpu.memory_space<vmem>> -> memref<1x1xi32, #tpu.memory_space<vmem>>
    %dma_wait3A_16 = tpu.memref_squeeze %dma_wait3A_15 : memref<1x1xi32, #tpu.memory_space<vmem>> -> memref<1xi32, #tpu.memory_space<vmem>>
    %dma_wait3A_17 = arith.constant 0 : i32
    %dma_wait3A_18 = arith.constant 0 : i32
    %dma_wait3A_19 = tpu.memref_slice %arg3[%dma_wait3A_17, %dma_wait3A_18] : memref<128x49152xf32, #tpu.memory_space<hbm>> -> memref<128x12288xf32, #tpu.memory_space<hbm>>
    %dma_wait3A_20 = tpu.memref_slice %arg7[%dma_wait3A_9] : memref<8x!tpu.dma_semaphore, #tpu.memory_space<semaphore_mem>> -> memref<1x!tpu.dma_semaphore, #tpu.memory_space<semaphore_mem>>
    %dma_wait3A_21 = tpu.memref_squeeze %dma_wait3A_20 : memref<1x!tpu.dma_semaphore, #tpu.memory_space<semaphore_mem>> -> memref<!tpu.dma_semaphore, #tpu.memory_space<semaphore_mem>>
    tpu.wait_indirect_dma semaphore(%dma_wait3A_21 : memref<!tpu.dma_semaphore, #tpu.memory_space<semaphore_mem>>) src(%dma_wait3A_19 : memref<128x12288xf32, #tpu.memory_space<hbm>>) dst(%dma_wait3A_13 : memref<1x12288xf32, #tpu.memory_space<vmem>>)
    %add3A_22 = arith.constant 31 : i32
    %add3A_23 = arith.addi %mul3A_2, %add3A_22 : i32
    %dma_start3A = arith.constant 4 : i32
    %dma_start3A_24 = arith.constant 4 : i32
    %dma_start3A_25 = arith.constant 0 : i32
    %dma_start3A_26 = arith.constant 0 : i32
    %dma_start3A_27 = tpu.memref_slice %arg6[%dma_start3A, %dma_start3A_25, %dma_start3A_26] : memref<8x1x12288xf32, #tpu.memory_space<vmem>> -> memref<1x1x12288xf32, #tpu.memory_space<vmem>>
    %dma_start3A_28 = tpu.memref_squeeze %dma_start3A_27 : memref<1x1x12288xf32, #tpu.memory_space<vmem>> -> memref<1x12288xf32, #tpu.memory_space<vmem>>
    %dma_start3A_29 = arith.constant 0 : i32
    %dma_start3A_30 = tpu.memref_slice %arg4[%add3A_23, %dma_start3A_29] : memref<1024x49152xf32, #tpu.memory_space<hbm>> -> memref<1x12288xf32, #tpu.memory_space<hbm>>
    %dma_start3A_31 = tpu.memref_slice %arg8[%dma_start3A_24] : memref<8x!tpu.dma_semaphore, #tpu.memory_space<semaphore_mem>> -> memref<1x!tpu.dma_semaphore, #tpu.memory_space<semaphore_mem>>
    %dma_start3A_32 = tpu.memref_squeeze %dma_start3A_31 : memref<1x!tpu.dma_semaphore, #tpu.memory_space<semaphore_mem>> -> memref<!tpu.dma_semaphore, #tpu.memory_space<semaphore_mem>>
    %dma_start3A_33 = arith.constant 0 : i32
    %dma_start3A_34 = tpu.memref_slice %arg4[%add3A_23, %dma_start3A_33] : memref<1024x49152xf32, #tpu.memory_space<hbm>> -> memref<1x12288xf32, #tpu.memory_space<hbm>>
    %dma_start3A_35 = arith.constant 0 : i32
    %dma_start3A_36 = arith.constant 0 : i32
    %dma_start3A_37 = tpu.memref_slice %arg6[%dma_start3A, %dma_start3A_35, %dma_start3A_36] : memref<8x1x12288xf32, #tpu.memory_space<vmem>> -> memref<1x1x12288xf32, #tpu.memory_space<vmem>>
    %dma_start3A_38 = tpu.memref_squeeze %dma_start3A_37 : memref<1x1x12288xf32, #tpu.memory_space<vmem>> -> memref<1x12288xf32, #tpu.memory_space<vmem>>
    tpu.enqueue_dma source(%dma_start3A_38 : memref<1x12288xf32, #tpu.memory_space<vmem>>) target(%dma_start3A_34 : memref<1x12288xf32, #tpu.memory_space<hbm>>) target_semaphore(%dma_start3A_32 : memref<!tpu.dma_semaphore, #tpu.memory_space<semaphore_mem>>)
    %dma_wait3A_39 = arith.constant 31 : i32
    %dma_wait3A_40 = arith.constant 5 : i32
    %dma_wait3A_41 = arith.constant 5 : i32
    %dma_wait3A_42 = arith.constant 0 : i32
    %dma_wait3A_43 = arith.constant 0 : i32
    %dma_wait3A_44 = tpu.memref_slice %arg6[%dma_wait3A_40, %dma_wait3A_42, %dma_wait3A_43] : memref<8x1x12288xf32, #tpu.memory_space<vmem>> -> memref<1x1x12288xf32, #tpu.memory_space<vmem>>
    %dma_wait3A_45 = tpu.memref_squeeze %dma_wait3A_44 : memref<1x1x12288xf32, #tpu.memory_space<vmem>> -> memref<1x12288xf32, #tpu.memory_space<vmem>>
    %dma_wait3A_46 = arith.constant 0 : i32
    %dma_wait3A_47 = tpu.memref_slice %arg5[%dma_wait3A_39, %dma_wait3A_46] : memref<32x1xi32, #tpu.memory_space<vmem>> -> memref<1x1xi32, #tpu.memory_space<vmem>>
    %dma_wait3A_48 = tpu.memref_squeeze %dma_wait3A_47 : memref<1x1xi32, #tpu.memory_space<vmem>> -> memref<1xi32, #tpu.memory_space<vmem>>
    %dma_wait3A_49 = arith.constant 0 : i32
    %dma_wait3A_50 = arith.constant 12288 : i32
    %dma_wait3A_51 = tpu.memref_slice %arg3[%dma_wait3A_49, %dma_wait3A_50] : memref<128x49152xf32, #tpu.memory_space<hbm>> -> memref<128x12288xf32, #tpu.memory_space<hbm>>
    %dma_wait3A_52 = tpu.memref_slice %arg7[%dma_wait3A_41] : memref<8x!tpu.dma_semaphore, #tpu.memory_space<semaphore_mem>> -> memref<1x!tpu.dma_semaphore, #tpu.memory_space<semaphore_mem>>
    %dma_wait3A_53 = tpu.memref_squeeze %dma_wait3A_52 : memref<1x!tpu.dma_semaphore, #tpu.memory_space<semaphore_mem>> -> memref<!tpu.dma_semaphore, #tpu.memory_space<semaphore_mem>>
    tpu.wait_indirect_dma semaphore(%dma_wait3A_53 : memref<!tpu.dma_semaphore, #tpu.memory_space<semaphore_mem>>) src(%dma_wait3A_51 : memref<128x12288xf32, #tpu.memory_space<hbm>>) dst(%dma_wait3A_45 : memref<1x12288xf32, #tpu.memory_space<vmem>>)
    %add3A_54 = arith.constant 31 : i32
    %add3A_55 = arith.addi %mul3A_2, %add3A_54 : i32
    %dma_start3A_56 = arith.constant 5 : i32
    %dma_start3A_57 = arith.constant 5 : i32
    %dma_start3A_58 = arith.constant 0 : i32
    %dma_start3A_59 = arith.constant 0 : i32
    %dma_start3A_60 = tpu.memref_slice %arg6[%dma_start3A_56, %dma_start3A_58, %dma_start3A_59] : memref<8x1x12288xf32, #tpu.memory_space<vmem>> -> memref<1x1x12288xf32, #tpu.memory_space<vmem>>
    %dma_start3A_61 = tpu.memref_squeeze %dma_start3A_60 : memref<1x1x12288xf32, #tpu.memory_space<vmem>> -> memref<1x12288xf32, #tpu.memory_space<vmem>>
    %dma_start3A_62 = arith.constant 12288 : i32
    %dma_start3A_63 = tpu.memref_slice %arg4[%add3A_55, %dma_start3A_62] : memref<1024x49152xf32, #tpu.memory_space<hbm>> -> memref<1x12288xf32, #tpu.memory_space<hbm>>
    %dma_start3A_64 = tpu.memref_slice %arg8[%dma_start3A_57] : memref<8x!tpu.dma_semaphore, #tpu.memory_space<semaphore_mem>> -> memref<1x!tpu.dma_semaphore, #tpu.memory_space<semaphore_mem>>
    %dma_start3A_65 = tpu.memref_squeeze %dma_start3A_64 : memref<1x!tpu.dma_semaphore, #tpu.memory_space<semaphore_mem>> -> memref<!tpu.dma_semaphore, #tpu.memory_space<semaphore_mem>>
    %dma_start3A_66 = arith.constant 12288 : i32
    %dma_start3A_67 = tpu.memref_slice %arg4[%add3A_55, %dma_start3A_66] : memref<1024x49152xf32, #tpu.memory_space<hbm>> -> memref<1x12288xf32, #tpu.memory_space<hbm>>
    %dma_start3A_68 = arith.constant 0 : i32
    %dma_start3A_69 = arith.constant 0 : i32
    %dma_start3A_70 = tpu.memref_slice %arg6[%dma_start3A_56, %dma_start3A_68, %dma_start3A_69] : memref<8x1x12288xf32, #tpu.memory_space<vmem>> -> memref<1x1x12288xf32, #tpu.memory_space<vmem>>
    %dma_start3A_71 = tpu.memref_squeeze %dma_start3A_70 : memref<1x1x12288xf32, #tpu.memory_space<vmem>> -> memref<1x12288xf32, #tpu.memory_space<vmem>>
    tpu.enqueue_dma source(%dma_start3A_71 : memref<1x12288xf32, #tpu.memory_space<vmem>>) target(%dma_start3A_67 : memref<1x12288xf32, #tpu.memory_space<hbm>>) target_semaphore(%dma_start3A_65 : memref<!tpu.dma_semaphore, #tpu.memory_space<semaphore_mem>>)
    %dma_wait3A_72 = arith.constant 31 : i32
    %dma_wait3A_73 = arith.constant 6 : i32
    %dma_wait3A_74 = arith.constant 6 : i32
    %dma_wait3A_75 = arith.constant 0 : i32
    %dma_wait3A_76 = arith.constant 0 : i32
    %dma_wait3A_77 = tpu.memref_slice %arg6[%dma_wait3A_73, %dma_wait3A_75, %dma_wait3A_76] : memref<8x1x12288xf32, #tpu.memory_space<vmem>> -> memref<1x1x12288xf32, #tpu.memory_space<vmem>>
    %dma_wait3A_78 = tpu.memref_squeeze %dma_wait3A_77 : memref<1x1x12288xf32, #tpu.memory_space<vmem>> -> memref<1x12288xf32, #tpu.memory_space<vmem>>
    %dma_wait3A_79 = arith.constant 0 : i32
    %dma_wait3A_80 = tpu.memref_slice %arg5[%dma_wait3A_72, %dma_wait3A_79] : memref<32x1xi32, #tpu.memory_space<vmem>> -> memref<1x1xi32, #tpu.memory_space<vmem>>
    %dma_wait3A_81 = tpu.memref_squeeze %dma_wait3A_80 : memref<1x1xi32, #tpu.memory_space<vmem>> -> memref<1xi32, #tpu.memory_space<vmem>>
    %dma_wait3A_82 = arith.constant 0 : i32
    %dma_wait3A_83 = arith.constant 24576 : i32
    %dma_wait3A_84 = tpu.memref_slice %arg3[%dma_wait3A_82, %dma_wait3A_83] : memref<128x49152xf32, #tpu.memory_space<hbm>> -> memref<128x12288xf32, #tpu.memory_space<hbm>>
    %dma_wait3A_85 = tpu.memref_slice %arg7[%dma_wait3A_74] : memref<8x!tpu.dma_semaphore, #tpu.memory_space<semaphore_mem>> -> memref<1x!tpu.dma_semaphore, #tpu.memory_space<semaphore_mem>>
    %dma_wait3A_86 = tpu.memref_squeeze %dma_wait3A_85 : memref<1x!tpu.dma_semaphore, #tpu.memory_space<semaphore_mem>> -> memref<!tpu.dma_semaphore, #tpu.memory_space<semaphore_mem>>
    tpu.wait_indirect_dma semaphore(%dma_wait3A_86 : memref<!tpu.dma_semaphore, #tpu.memory_space<semaphore_mem>>) src(%dma_wait3A_84 : memref<128x12288xf32, #tpu.memory_space<hbm>>) dst(%dma_wait3A_78 : memref<1x12288xf32, #tpu.memory_space<vmem>>)
    %add3A_87 = arith.constant 31 : i32
    %add3A_88 = arith.addi %mul3A_2, %add3A_87 : i32
    %dma_start3A_89 = arith.constant 6 : i32
    %dma_start3A_90 = arith.constant 6 : i32
    %dma_start3A_91 = arith.constant 0 : i32
    %dma_start3A_92 = arith.constant 0 : i32
    %dma_start3A_93 = tpu.memref_slice %arg6[%dma_start3A_89, %dma_start3A_91, %dma_start3A_92] : memref<8x1x12288xf32, #tpu.memory_space<vmem>> -> memref<1x1x12288xf32, #tpu.memory_space<vmem>>
    %dma_start3A_94 = tpu.memref_squeeze %dma_start3A_93 : memref<1x1x12288xf32, #tpu.memory_space<vmem>> -> memref<1x12288xf32, #tpu.memory_space<vmem>>
    %dma_start3A_95 = arith.constant 24576 : i32
    %dma_start3A_96 = tpu.memref_slice %arg4[%add3A_88, %dma_start3A_95] : memref<1024x49152xf32, #tpu.memory_space<hbm>> -> memref<1x12288xf32, #tpu.memory_space<hbm>>
    %dma_start3A_97 = tpu.memref_slice %arg8[%dma_start3A_90] : memref<8x!tpu.dma_semaphore, #tpu.memory_space<semaphore_mem>> -> memref<1x!tpu.dma_semaphore, #tpu.memory_space<semaphore_mem>>
    %dma_start3A_98 = tpu.memref_squeeze %dma_start3A_97 : memref<1x!tpu.dma_semaphore, #tpu.memory_space<semaphore_mem>> -> memref<!tpu.dma_semaphore, #tpu.memory_space<semaphore_mem>>
    %dma_start3A_99 = arith.constant 24576 : i32
    %dma_start3A_100 = tpu.memref_slice %arg4[%add3A_88, %dma_start3A_99] : memref<1024x49152xf32, #tpu.memory_space<hbm>> -> memref<1x12288xf32, #tpu.memory_space<hbm>>
    %dma_start3A_101 = arith.constant 0 : i32
    %dma_start3A_102 = arith.constant 0 : i32
    %dma_start3A_103 = tpu.memref_slice %arg6[%dma_start3A_89, %dma_start3A_101, %dma_start3A_102] : memref<8x1x12288xf32, #tpu.memory_space<vmem>> -> memref<1x1x12288xf32, #tpu.memory_space<vmem>>
    %dma_start3A_104 = tpu.memref_squeeze %dma_start3A_103 : memref<1x1x12288xf32, #tpu.memory_space<vmem>> -> memref<1x12288xf32, #tpu.memory_space<vmem>>
    tpu.enqueue_dma source(%dma_start3A_104 : memref<1x12288xf32, #tpu.memory_space<vmem>>) target(%dma_start3A_100 : memref<1x12288xf32, #tpu.memory_space<hbm>>) target_semaphore(%dma_start3A_98 : memref<!tpu.dma_semaphore, #tpu.memory_space<semaphore_mem>>)
    %dma_wait3A_105 = arith.constant 31 : i32
    %dma_wait3A_106 = arith.constant 7 : i32
    %dma_wait3A_107 = arith.constant 7 : i32
    %dma_wait3A_108 = arith.constant 0 : i32
    %dma_wait3A_109 = arith.constant 0 : i32
    %dma_wait3A_110 = tpu.memref_slice %arg6[%dma_wait3A_106, %dma_wait3A_108, %dma_wait3A_109] : memref<8x1x12288xf32, #tpu.memory_space<vmem>> -> memref<1x1x12288xf32, #tpu.memory_space<vmem>>
    %dma_wait3A_111 = tpu.memref_squeeze %dma_wait3A_110 : memref<1x1x12288xf32, #tpu.memory_space<vmem>> -> memref<1x12288xf32, #tpu.memory_space<vmem>>
    %dma_wait3A_112 = arith.constant 0 : i32
    %dma_wait3A_113 = tpu.memref_slice %arg5[%dma_wait3A_105, %dma_wait3A_112] : memref<32x1xi32, #tpu.memory_space<vmem>> -> memref<1x1xi32, #tpu.memory_space<vmem>>
    %dma_wait3A_114 = tpu.memref_squeeze %dma_wait3A_113 : memref<1x1xi32, #tpu.memory_space<vmem>> -> memref<1xi32, #tpu.memory_space<vmem>>
    %dma_wait3A_115 = arith.constant 0 : i32
    %dma_wait3A_116 = arith.constant 36864 : i32
    %dma_wait3A_117 = tpu.memref_slice %arg3[%dma_wait3A_115, %dma_wait3A_116] : memref<128x49152xf32, #tpu.memory_space<hbm>> -> memref<128x12288xf32, #tpu.memory_space<hbm>>
    %dma_wait3A_118 = tpu.memref_slice %arg7[%dma_wait3A_107] : memref<8x!tpu.dma_semaphore, #tpu.memory_space<semaphore_mem>> -> memref<1x!tpu.dma_semaphore, #tpu.memory_space<semaphore_mem>>
    %dma_wait3A_119 = tpu.memref_squeeze %dma_wait3A_118 : memref<1x!tpu.dma_semaphore, #tpu.memory_space<semaphore_mem>> -> memref<!tpu.dma_semaphore, #tpu.memory_space<semaphore_mem>>
    tpu.wait_indirect_dma semaphore(%dma_wait3A_119 : memref<!tpu.dma_semaphore, #tpu.memory_space<semaphore_mem>>) src(%dma_wait3A_117 : memref<128x12288xf32, #tpu.memory_space<hbm>>) dst(%dma_wait3A_111 : memref<1x12288xf32, #tpu.memory_space<vmem>>)
    %add3A_120 = arith.constant 31 : i32
    %add3A_121 = arith.addi %mul3A_2, %add3A_120 : i32
    %dma_start3A_122 = arith.constant 7 : i32
    %dma_start3A_123 = arith.constant 7 : i32
    %dma_start3A_124 = arith.constant 0 : i32
    %dma_start3A_125 = arith.constant 0 : i32
    %dma_start3A_126 = tpu.memref_slice %arg6[%dma_start3A_122, %dma_start3A_124, %dma_start3A_125] : memref<8x1x12288xf32, #tpu.memory_space<vmem>> -> memref<1x1x12288xf32, #tpu.memory_space<vmem>>
    %dma_start3A_127 = tpu.memref_squeeze %dma_start3A_126 : memref<1x1x12288xf32, #tpu.memory_space<vmem>> -> memref<1x12288xf32, #tpu.memory_space<vmem>>
    %dma_start3A_128 = arith.constant 36864 : i32
    %dma_start3A_129 = tpu.memref_slice %arg4[%add3A_121, %dma_start3A_128] : memref<1024x49152xf32, #tpu.memory_space<hbm>> -> memref<1x12288xf32, #tpu.memory_space<hbm>>
    %dma_start3A_130 = tpu.memref_slice %arg8[%dma_start3A_123] : memref<8x!tpu.dma_semaphore, #tpu.memory_space<semaphore_mem>> -> memref<1x!tpu.dma_semaphore, #tpu.memory_space<semaphore_mem>>
    %dma_start3A_131 = tpu.memref_squeeze %dma_start3A_130 : memref<1x!tpu.dma_semaphore, #tpu.memory_space<semaphore_mem>> -> memref<!tpu.dma_semaphore, #tpu.memory_space<semaphore_mem>>
    %dma_start3A_132 = arith.constant 36864 : i32
    %dma_start3A_133 = tpu.memref_slice %arg4[%add3A_121, %dma_start3A_132] : memref<1024x49152xf32, #tpu.memory_space<hbm>> -> memref<1x12288xf32, #tpu.memory_space<hbm>>
    %dma_start3A_134 = arith.constant 0 : i32
    %dma_start3A_135 = arith.constant 0 : i32
    %dma_start3A_136 = tpu.memref_slice %arg6[%dma_start3A_122, %dma_start3A_134, %dma_start3A_135] : memref<8x1x12288xf32, #tpu.memory_space<vmem>> -> memref<1x1x12288xf32, #tpu.memory_space<vmem>>
    %dma_start3A_137 = tpu.memref_squeeze %dma_start3A_136 : memref<1x1x12288xf32, #tpu.memory_space<vmem>> -> memref<1x12288xf32, #tpu.memory_space<vmem>>
    tpu.enqueue_dma source(%dma_start3A_137 : memref<1x12288xf32, #tpu.memory_space<vmem>>) target(%dma_start3A_133 : memref<1x12288xf32, #tpu.memory_space<hbm>>) target_semaphore(%dma_start3A_131 : memref<!tpu.dma_semaphore, #tpu.memory_space<semaphore_mem>>)
    %add3A_138 = arith.constant 30 : i32
    %add3A_139 = arith.addi %mul3A_2, %add3A_138 : i32
    %dma_wait3A_140 = arith.constant 0 : i32
    %dma_wait3A_141 = arith.constant 0 : i32
    %dma_wait3A_142 = arith.constant 0 : i32
    %dma_wait3A_143 = arith.constant 0 : i32
    %dma_wait3A_144 = tpu.memref_slice %arg6[%dma_wait3A_140, %dma_wait3A_142, %dma_wait3A_143] : memref<8x1x12288xf32, #tpu.memory_space<vmem>> -> memref<1x1x12288xf32, #tpu.memory_space<vmem>>
    %dma_wait3A_145 = tpu.memref_squeeze %dma_wait3A_144 : memref<1x1x12288xf32, #tpu.memory_space<vmem>> -> memref<1x12288xf32, #tpu.memory_space<vmem>>
    %dma_wait3A_146 = arith.constant 0 : i32
    %dma_wait3A_147 = tpu.memref_slice %arg4[%add3A_139, %dma_wait3A_146] : memref<1024x49152xf32, #tpu.memory_space<hbm>> -> memref<1x12288xf32, #tpu.memory_space<hbm>>
    %dma_wait3A_148 = tpu.memref_slice %arg8[%dma_wait3A_141] : memref<8x!tpu.dma_semaphore, #tpu.memory_space<semaphore_mem>> -> memref<1x!tpu.dma_semaphore, #tpu.memory_space<semaphore_mem>>
    %dma_wait3A_149 = tpu.memref_squeeze %dma_wait3A_148 : memref<1x!tpu.dma_semaphore, #tpu.memory_space<semaphore_mem>> -> memref<!tpu.dma_semaphore, #tpu.memory_space<semaphore_mem>>
    %dma_wait3A_150 = arith.constant 0 : i32
    %dma_wait3A_151 = tpu.memref_slice %arg4[%add3A_139, %dma_wait3A_150] : memref<1024x49152xf32, #tpu.memory_space<hbm>> -> memref<1x12288xf32, #tpu.memory_space<hbm>>
    %dma_wait3A_152 = arith.constant 0 : i32
    %dma_wait3A_153 = arith.constant 0 : i32
    %dma_wait3A_154 = tpu.memref_slice %arg6[%dma_wait3A_140, %dma_wait3A_152, %dma_wait3A_153] : memref<8x1x12288xf32, #tpu.memory_space<vmem>> -> memref<1x1x12288xf32, #tpu.memory_space<vmem>>
    %dma_wait3A_155 = tpu.memref_squeeze %dma_wait3A_154 : memref<1x1x12288xf32, #tpu.memory_space<vmem>> -> memref<1x12288xf32, #tpu.memory_space<vmem>>
    tpu.wait_dma2 semaphore(%dma_wait3A_149 : memref<!tpu.dma_semaphore, #tpu.memory_space<semaphore_mem>>) src(%dma_wait3A_155 : memref<1x12288xf32, #tpu.memory_space<vmem>>) dst(%dma_wait3A_151 : memref<1x12288xf32, #tpu.memory_space<hbm>>)
    %add3A_156 = arith.constant 30 : i32
    %add3A_157 = arith.addi %mul3A_2, %add3A_156 : i32
    %dma_wait3A_158 = arith.constant 1 : i32
    %dma_wait3A_159 = arith.constant 1 : i32
    %dma_wait3A_160 = arith.constant 0 : i32
    %dma_wait3A_161 = arith.constant 0 : i32
    %dma_wait3A_162 = tpu.memref_slice %arg6[%dma_wait3A_158, %dma_wait3A_160, %dma_wait3A_161] : memref<8x1x12288xf32, #tpu.memory_space<vmem>> -> memref<1x1x12288xf32, #tpu.memory_space<vmem>>
    %dma_wait3A_163 = tpu.memref_squeeze %dma_wait3A_162 : memref<1x1x12288xf32, #tpu.memory_space<vmem>> -> memref<1x12288xf32, #tpu.memory_space<vmem>>
    %dma_wait3A_164 = arith.constant 12288 : i32
    %dma_wait3A_165 = tpu.memref_slice %arg4[%add3A_157, %dma_wait3A_164] : memref<1024x49152xf32, #tpu.memory_space<hbm>> -> memref<1x12288xf32, #tpu.memory_space<hbm>>
    %dma_wait3A_166 = tpu.memref_slice %arg8[%dma_wait3A_159] : memref<8x!tpu.dma_semaphore, #tpu.memory_space<semaphore_mem>> -> memref<1x!tpu.dma_semaphore, #tpu.memory_space<semaphore_mem>>
    %dma_wait3A_167 = tpu.memref_squeeze %dma_wait3A_166 : memref<1x!tpu.dma_semaphore, #tpu.memory_space<semaphore_mem>> -> memref<!tpu.dma_semaphore, #tpu.memory_space<semaphore_mem>>
    %dma_wait3A_168 = arith.constant 12288 : i32
    %dma_wait3A_169 = tpu.memref_slice %arg4[%add3A_157, %dma_wait3A_168] : memref<1024x49152xf32, #tpu.memory_space<hbm>> -> memref<1x12288xf32, #tpu.memory_space<hbm>>
    %dma_wait3A_170 = arith.constant 0 : i32
    %dma_wait3A_171 = arith.constant 0 : i32
    %dma_wait3A_172 = tpu.memref_slice %arg6[%dma_wait3A_158, %dma_wait3A_170, %dma_wait3A_171] : memref<8x1x12288xf32, #tpu.memory_space<vmem>> -> memref<1x1x12288xf32, #tpu.memory_space<vmem>>
    %dma_wait3A_173 = tpu.memref_squeeze %dma_wait3A_172 : memref<1x1x12288xf32, #tpu.memory_space<vmem>> -> memref<1x12288xf32, #tpu.memory_space<vmem>>
    tpu.wait_dma2 semaphore(%dma_wait3A_167 : memref<!tpu.dma_semaphore, #tpu.memory_space<semaphore_mem>>) src(%dma_wait3A_173 : memref<1x12288xf32, #tpu.memory_space<vmem>>) dst(%dma_wait3A_169 : memref<1x12288xf32, #tpu.memory_space<hbm>>)
    %add3A_174 = arith.constant 30 : i32
    %add3A_175 = arith.addi %mul3A_2, %add3A_174 : i32
    %dma_wait3A_176 = arith.constant 2 : i32
    %dma_wait3A_177 = arith.constant 2 : i32
    %dma_wait3A_178 = arith.constant 0 : i32
    %dma_wait3A_179 = arith.constant 0 : i32
    %dma_wait3A_180 = tpu.memref_slice %arg6[%dma_wait3A_176, %dma_wait3A_178, %dma_wait3A_179] : memref<8x1x12288xf32, #tpu.memory_space<vmem>> -> memref<1x1x12288xf32, #tpu.memory_space<vmem>>
    %dma_wait3A_181 = tpu.memref_squeeze %dma_wait3A_180 : memref<1x1x12288xf32, #tpu.memory_space<vmem>> -> memref<1x12288xf32, #tpu.memory_space<vmem>>
    %dma_wait3A_182 = arith.constant 24576 : i32
    %dma_wait3A_183 = tpu.memref_slice %arg4[%add3A_175, %dma_wait3A_182] : memref<1024x49152xf32, #tpu.memory_space<hbm>> -> memref<1x12288xf32, #tpu.memory_space<hbm>>
    %dma_wait3A_184 = tpu.memref_slice %arg8[%dma_wait3A_177] : memref<8x!tpu.dma_semaphore, #tpu.memory_space<semaphore_mem>> -> memref<1x!tpu.dma_semaphore, #tpu.memory_space<semaphore_mem>>
    %dma_wait3A_185 = tpu.memref_squeeze %dma_wait3A_184 : memref<1x!tpu.dma_semaphore, #tpu.memory_space<semaphore_mem>> -> memref<!tpu.dma_semaphore, #tpu.memory_space<semaphore_mem>>
    %dma_wait3A_186 = arith.constant 24576 : i32
    %dma_wait3A_187 = tpu.memref_slice %arg4[%add3A_175, %dma_wait3A_186] : memref<1024x49152xf32, #tpu.memory_space<hbm>> -> memref<1x12288xf32, #tpu.memory_space<hbm>>
    %dma_wait3A_188 = arith.constant 0 : i32
    %dma_wait3A_189 = arith.constant 0 : i32
    %dma_wait3A_190 = tpu.memref_slice %arg6[%dma_wait3A_176, %dma_wait3A_188, %dma_wait3A_189] : memref<8x1x12288xf32, #tpu.memory_space<vmem>> -> memref<1x1x12288xf32, #tpu.memory_space<vmem>>
    %dma_wait3A_191 = tpu.memref_squeeze %dma_wait3A_190 : memref<1x1x12288xf32, #tpu.memory_space<vmem>> -> memref<1x12288xf32, #tpu.memory_space<vmem>>
    tpu.wait_dma2 semaphore(%dma_wait3A_185 : memref<!tpu.dma_semaphore, #tpu.memory_space<semaphore_mem>>) src(%dma_wait3A_191 : memref<1x12288xf32, #tpu.memory_space<vmem>>) dst(%dma_wait3A_187 : memref<1x12288xf32, #tpu.memory_space<hbm>>)
    %add3A_192 = arith.constant 30 : i32
    %add3A_193 = arith.addi %mul3A_2, %add3A_192 : i32
    %dma_wait3A_194 = arith.constant 3 : i32
    %dma_wait3A_195 = arith.constant 3 : i32
    %dma_wait3A_196 = arith.constant 0 : i32
    %dma_wait3A_197 = arith.constant 0 : i32
    %dma_wait3A_198 = tpu.memref_slice %arg6[%dma_wait3A_194, %dma_wait3A_196, %dma_wait3A_197] : memref<8x1x12288xf32, #tpu.memory_space<vmem>> -> memref<1x1x12288xf32, #tpu.memory_space<vmem>>
    %dma_wait3A_199 = tpu.memref_squeeze %dma_wait3A_198 : memref<1x1x12288xf32, #tpu.memory_space<vmem>> -> memref<1x12288xf32, #tpu.memory_space<vmem>>
    %dma_wait3A_200 = arith.constant 36864 : i32
    %dma_wait3A_201 = tpu.memref_slice %arg4[%add3A_193, %dma_wait3A_200] : memref<1024x49152xf32, #tpu.memory_space<hbm>> -> memref<1x12288xf32, #tpu.memory_space<hbm>>
    %dma_wait3A_202 = tpu.memref_slice %arg8[%dma_wait3A_195] : memref<8x!tpu.dma_semaphore, #tpu.memory_space<semaphore_mem>> -> memref<1x!tpu.dma_semaphore, #tpu.memory_space<semaphore_mem>>
    %dma_wait3A_203 = tpu.memref_squeeze %dma_wait3A_202 : memref<1x!tpu.dma_semaphore, #tpu.memory_space<semaphore_mem>> -> memref<!tpu.dma_semaphore, #tpu.memory_space<semaphore_mem>>
    %dma_wait3A_204 = arith.constant 36864 : i32
    %dma_wait3A_205 = tpu.memref_slice %arg4[%add3A_193, %dma_wait3A_204] : memref<1024x49152xf32, #tpu.memory_space<hbm>> -> memref<1x12288xf32, #tpu.memory_space<hbm>>
    %dma_wait3A_206 = arith.constant 0 : i32
    %dma_wait3A_207 = arith.constant 0 : i32
    %dma_wait3A_208 = tpu.memref_slice %arg6[%dma_wait3A_194, %dma_wait3A_206, %dma_wait3A_207] : memref<8x1x12288xf32, #tpu.memory_space<vmem>> -> memref<1x1x12288xf32, #tpu.memory_space<vmem>>
    %dma_wait3A_209 = tpu.memref_squeeze %dma_wait3A_208 : memref<1x1x12288xf32, #tpu.memory_space<vmem>> -> memref<1x12288xf32, #tpu.memory_space<vmem>>
    tpu.wait_dma2 semaphore(%dma_wait3A_203 : memref<!tpu.dma_semaphore, #tpu.memory_space<semaphore_mem>>) src(%dma_wait3A_209 : memref<1x12288xf32, #tpu.memory_space<vmem>>) dst(%dma_wait3A_205 : memref<1x12288xf32, #tpu.memory_space<hbm>>)
    %add3A_210 = arith.constant 31 : i32
    %add3A_211 = arith.addi %mul3A_2, %add3A_210 : i32
    %dma_wait3A_212 = arith.constant 4 : i32
    %dma_wait3A_213 = arith.constant 4 : i32
    %dma_wait3A_214 = arith.constant 0 : i32
    %dma_wait3A_215 = arith.constant 0 : i32
    %dma_wait3A_216 = tpu.memref_slice %arg6[%dma_wait3A_212, %dma_wait3A_214, %dma_wait3A_215] : memref<8x1x12288xf32, #tpu.memory_space<vmem>> -> memref<1x1x12288xf32, #tpu.memory_space<vmem>>
    %dma_wait3A_217 = tpu.memref_squeeze %dma_wait3A_216 : memref<1x1x12288xf32, #tpu.memory_space<vmem>> -> memref<1x12288xf32, #tpu.memory_space<vmem>>
    %dma_wait3A_218 = arith.constant 0 : i32
    %dma_wait3A_219 = tpu.memref_slice %arg4[%add3A_211, %dma_wait3A_218] : memref<1024x49152xf32, #tpu.memory_space<hbm>> -> memref<1x12288xf32, #tpu.memory_space<hbm>>
    %dma_wait3A_220 = tpu.memref_slice %arg8[%dma_wait3A_213] : memref<8x!tpu.dma_semaphore, #tpu.memory_space<semaphore_mem>> -> memref<1x!tpu.dma_semaphore, #tpu.memory_space<semaphore_mem>>
    %dma_wait3A_221 = tpu.memref_squeeze %dma_wait3A_220 : memref<1x!tpu.dma_semaphore, #tpu.memory_space<semaphore_mem>> -> memref<!tpu.dma_semaphore, #tpu.memory_space<semaphore_mem>>
    %dma_wait3A_222 = arith.constant 0 : i32
    %dma_wait3A_223 = tpu.memref_slice %arg4[%add3A_211, %dma_wait3A_222] : memref<1024x49152xf32, #tpu.memory_space<hbm>> -> memref<1x12288xf32, #tpu.memory_space<hbm>>
    %dma_wait3A_224 = arith.constant 0 : i32
    %dma_wait3A_225 = arith.constant 0 : i32
    %dma_wait3A_226 = tpu.memref_slice %arg6[%dma_wait3A_212, %dma_wait3A_224, %dma_wait3A_225] : memref<8x1x12288xf32, #tpu.memory_space<vmem>> -> memref<1x1x12288xf32, #tpu.memory_space<vmem>>
    %dma_wait3A_227 = tpu.memref_squeeze %dma_wait3A_226 : memref<1x1x12288xf32, #tpu.memory_space<vmem>> -> memref<1x12288xf32, #tpu.memory_space<vmem>>
    tpu.wait_dma2 semaphore(%dma_wait3A_221 : memref<!tpu.dma_semaphore, #tpu.memory_space<semaphore_mem>>) src(%dma_wait3A_227 : memref<1x12288xf32, #tpu.memory_space<vmem>>) dst(%dma_wait3A_223 : memref<1x12288xf32, #tpu.memory_space<hbm>>)
    %add3A_228 = arith.constant 31 : i32
    %add3A_229 = arith.addi %mul3A_2, %add3A_228 : i32
    %dma_wait3A_230 = arith.constant 5 : i32
    %dma_wait3A_231 = arith.constant 5 : i32
    %dma_wait3A_232 = arith.constant 0 : i32
    %dma_wait3A_233 = arith.constant 0 : i32
    %dma_wait3A_234 = tpu.memref_slice %arg6[%dma_wait3A_230, %dma_wait3A_232, %dma_wait3A_233] : memref<8x1x12288xf32, #tpu.memory_space<vmem>> -> memref<1x1x12288xf32, #tpu.memory_space<vmem>>
    %dma_wait3A_235 = tpu.memref_squeeze %dma_wait3A_234 : memref<1x1x12288xf32, #tpu.memory_space<vmem>> -> memref<1x12288xf32, #tpu.memory_space<vmem>>
    %dma_wait3A_236 = arith.constant 12288 : i32
    %dma_wait3A_237 = tpu.memref_slice %arg4[%add3A_229, %dma_wait3A_236] : memref<1024x49152xf32, #tpu.memory_space<hbm>> -> memref<1x12288xf32, #tpu.memory_space<hbm>>
    %dma_wait3A_238 = tpu.memref_slice %arg8[%dma_wait3A_231] : memref<8x!tpu.dma_semaphore, #tpu.memory_space<semaphore_mem>> -> memref<1x!tpu.dma_semaphore, #tpu.memory_space<semaphore_mem>>
    %dma_wait3A_239 = tpu.memref_squeeze %dma_wait3A_238 : memref<1x!tpu.dma_semaphore, #tpu.memory_space<semaphore_mem>> -> memref<!tpu.dma_semaphore, #tpu.memory_space<semaphore_mem>>
    %dma_wait3A_240 = arith.constant 12288 : i32
    %dma_wait3A_241 = tpu.memref_slice %arg4[%add3A_229, %dma_wait3A_240] : memref<1024x49152xf32, #tpu.memory_space<hbm>> -> memref<1x12288xf32, #tpu.memory_space<hbm>>
    %dma_wait3A_242 = arith.constant 0 : i32
    %dma_wait3A_243 = arith.constant 0 : i32
    %dma_wait3A_244 = tpu.memref_slice %arg6[%dma_wait3A_230, %dma_wait3A_242, %dma_wait3A_243] : memref<8x1x12288xf32, #tpu.memory_space<vmem>> -> memref<1x1x12288xf32, #tpu.memory_space<vmem>>
    %dma_wait3A_245 = tpu.memref_squeeze %dma_wait3A_244 : memref<1x1x12288xf32, #tpu.memory_space<vmem>> -> memref<1x12288xf32, #tpu.memory_space<vmem>>
    tpu.wait_dma2 semaphore(%dma_wait3A_239 : memref<!tpu.dma_semaphore, #tpu.memory_space<semaphore_mem>>) src(%dma_wait3A_245 : memref<1x12288xf32, #tpu.memory_space<vmem>>) dst(%dma_wait3A_241 : memref<1x12288xf32, #tpu.memory_space<hbm>>)
    %add3A_246 = arith.constant 31 : i32
    %add3A_247 = arith.addi %mul3A_2, %add3A_246 : i32
    %dma_wait3A_248 = arith.constant 6 : i32
    %dma_wait3A_249 = arith.constant 6 : i32
    %dma_wait3A_250 = arith.constant 0 : i32
    %dma_wait3A_251 = arith.constant 0 : i32
    %dma_wait3A_252 = tpu.memref_slice %arg6[%dma_wait3A_248, %dma_wait3A_250, %dma_wait3A_251] : memref<8x1x12288xf32, #tpu.memory_space<vmem>> -> memref<1x1x12288xf32, #tpu.memory_space<vmem>>
    %dma_wait3A_253 = tpu.memref_squeeze %dma_wait3A_252 : memref<1x1x12288xf32, #tpu.memory_space<vmem>> -> memref<1x12288xf32, #tpu.memory_space<vmem>>
    %dma_wait3A_254 = arith.constant 24576 : i32
    %dma_wait3A_255 = tpu.memref_slice %arg4[%add3A_247, %dma_wait3A_254] : memref<1024x49152xf32, #tpu.memory_space<hbm>> -> memref<1x12288xf32, #tpu.memory_space<hbm>>
    %dma_wait3A_256 = tpu.memref_slice %arg8[%dma_wait3A_249] : memref<8x!tpu.dma_semaphore, #tpu.memory_space<semaphore_mem>> -> memref<1x!tpu.dma_semaphore, #tpu.memory_space<semaphore_mem>>
    %dma_wait3A_257 = tpu.memref_squeeze %dma_wait3A_256 : memref<1x!tpu.dma_semaphore, #tpu.memory_space<semaphore_mem>> -> memref<!tpu.dma_semaphore, #tpu.memory_space<semaphore_mem>>
    %dma_wait3A_258 = arith.constant 24576 : i32
    %dma_wait3A_259 = tpu.memref_slice %arg4[%add3A_247, %dma_wait3A_258] : memref<1024x49152xf32, #tpu.memory_space<hbm>> -> memref<1x12288xf32, #tpu.memory_space<hbm>>
    %dma_wait3A_260 = arith.constant 0 : i32
    %dma_wait3A_261 = arith.constant 0 : i32
    %dma_wait3A_262 = tpu.memref_slice %arg6[%dma_wait3A_248, %dma_wait3A_260, %dma_wait3A_261] : memref<8x1x12288xf32, #tpu.memory_space<vmem>> -> memref<1x1x12288xf32, #tpu.memory_space<vmem>>
    %dma_wait3A_263 = tpu.memref_squeeze %dma_wait3A_262 : memref<1x1x12288xf32, #tpu.memory_space<vmem>> -> memref<1x12288xf32, #tpu.memory_space<vmem>>
    tpu.wait_dma2 semaphore(%dma_wait3A_257 : memref<!tpu.dma_semaphore, #tpu.memory_space<semaphore_mem>>) src(%dma_wait3A_263 : memref<1x12288xf32, #tpu.memory_space<vmem>>) dst(%dma_wait3A_259 : memref<1x12288xf32, #tpu.memory_space<hbm>>)
    %add3A_264 = arith.constant 31 : i32
    %add3A_265 = arith.addi %mul3A_2, %add3A_264 : i32
    %dma_wait3A_266 = arith.constant 7 : i32
    %dma_wait3A_267 = arith.constant 7 : i32
    %dma_wait3A_268 = arith.constant 0 : i32
    %dma_wait3A_269 = arith.constant 0 : i32
    %dma_wait3A_270 = tpu.memref_slice %arg6[%dma_wait3A_266, %dma_wait3A_268, %dma_wait3A_269] : memref<8x1x12288xf32, #tpu.memory_space<vmem>> -> memref<1x1x12288xf32, #tpu.memory_space<vmem>>
    %dma_wait3A_271 = tpu.memref_squeeze %dma_wait3A_270 : memref<1x1x12288xf32, #tpu.memory_space<vmem>> -> memref<1x12288xf32, #tpu.memory_space<vmem>>
    %dma_wait3A_272 = arith.constant 36864 : i32
    %dma_wait3A_273 = tpu.memref_slice %arg4[%add3A_265, %dma_wait3A_272] : memref<1024x49152xf32, #tpu.memory_space<hbm>> -> memref<1x12288xf32, #tpu.memory_space<hbm>>
    %dma_wait3A_274 = tpu.memref_slice %arg8[%dma_wait3A_267] : memref<8x!tpu.dma_semaphore, #tpu.memory_space<semaphore_mem>> -> memref<1x!tpu.dma_semaphore, #tpu.memory_space<semaphore_mem>>
    %dma_wait3A_275 = tpu.memref_squeeze %dma_wait3A_274 : memref<1x!tpu.dma_semaphore, #tpu.memory_space<semaphore_mem>> -> memref<!tpu.dma_semaphore, #tpu.memory_space<semaphore_mem>>
    %dma_wait3A_276 = arith.constant 36864 : i32
    %dma_wait3A_277 = tpu.memref_slice %arg4[%add3A_265, %dma_wait3A_276] : memref<1024x49152xf32, #tpu.memory_space<hbm>> -> memref<1x12288xf32, #tpu.memory_space<hbm>>
    %dma_wait3A_278 = arith.constant 0 : i32
    %dma_wait3A_279 = arith.constant 0 : i32
    %dma_wait3A_280 = tpu.memref_slice %arg6[%dma_wait3A_266, %dma_wait3A_278, %dma_wait3A_279] : memref<8x1x12288xf32, #tpu.memory_space<vmem>> -> memref<1x1x12288xf32, #tpu.memory_space<vmem>>
    %dma_wait3A_281 = tpu.memref_squeeze %dma_wait3A_280 : memref<1x1x12288xf32, #tpu.memory_space<vmem>> -> memref<1x12288xf32, #tpu.memory_space<vmem>>
    tpu.wait_dma2 semaphore(%dma_wait3A_275 : memref<!tpu.dma_semaphore, #tpu.memory_space<semaphore_mem>>) src(%dma_wait3A_281 : memref<1x12288xf32, #tpu.memory_space<vmem>>) dst(%dma_wait3A_277 : memref<1x12288xf32, #tpu.memory_space<hbm>>)
    return
  }
}

</mosaic_0001>

<sc_bundles>
// kernel: _sc_gather.3.cloned.1.call-start
scs
__scs_entry_jumppad:
0x0: {  	(pc) =	sbr.rel $0x88, $3  }
0x1: {  	(tag) =	ssettag $0x0;
	lr =	simm.s32 $0x1  }
0x2: {  	[smem:$0x3F9F] =	sst lr;
	_ =	strace $0xD0000000  }
0x3: {  	_ = 	snop  }
0x4: {  	_ = 	snop  }
0x5: {  	_ = 	snop  }
0x6: {  	_ = 	snop  }
0x7: {  	_ = 	snop  }
__scs_overlays_trampoline_lowered:
0x8: {  	[smem:$0x3FAE] =	sst s0  }
0x9: {  	[smem:$0x3FAF] =	sst s1  }
0xa: {  	[smem:$0x3FB0] =	sst s2  }
0xb: {  	[smem:$0x3FB1] =	sst s3  }
0xc: {  	[smem:$0x3FB2] =	sst s4  }
0xd: {  	[smem:$0x3FB3] =	sst s5  }
0xe: {  	[smem:$0x3FB4] =	sst s6  }
0xf: {  	[smem:$0x3FB5] =	sst s7  }
0x10: {  	[smem:$0x3FB6] =	sst s8  }
0x11: {  	[smem:$0x3FB7] =	sst s9;
	s0 =	simm.s32 @!p0 $0x0  }
0x12: {  	s1 =	sld [smem:$0x3F9D];
	s0 =	simm.s32 @p0 $0x1  }
0x13: {  	[smem:$0x3FB8] =	sst s0;
	s0 =	simm.s32 @!p1 $0x0  }
0x14: {  	s2 =	sld [smem:$0x3F9C];
	s0 =	simm.s32 @p1 $0x1  }
0x15: {  	[smem:$0x3FB9] =	sst s0;
	s0 =	simm.s32 @!p2 $0x0  }
0x16: {  	s3 =	sld [smem:$0x3FDB];
	s0 =	simm.s32 @p2 $0x1  }
0x17: {  	s4 =	simm.s32 $0x1BF5;
	[smem:$0x3FBB] =	sst s0  }
0x18: {  	s0 =	sld [smem:$0x3F9E];
	_ =	swait.ge [sflag:s4], $0x0  }
0x19: {  	s7 =	sld [smem:$0x3F9F]  }
0x1a: {  	s8 =	sadd.s32 $0xFFFFE003, lr  }
0x1b: {  	s9 =	sadd.s32 $0xFFFFFEF7, lr;
	s5 =	simm.s32 $0xFFFFFFFF;
	p2 =	slt.u32 s8, $0xFFFFF086  }
0x1c: {  	p1 =	slt.u32 s9, $0xF7A;
	s5 =	simm.s32 @!p2 $0x0  }
0x1d: {  	s5 =	simm.s32 @p1 $0x1;
	p0 =	seq.s32 s7, s2  }
0x1e: {  	s7 =	smul.u32 @!p0 $0xF7A, s2;
	p2 =	seq.s32 @!p0 s5, $0x0  }
0x1f: {  	s9 =	smul.u32 $0xF7A, s1;
	s8 =	simm.s32 @!p0 $0x1BF5;
	p2 =	por !p2, p0  }
0x20: {  	[sflag:s8] =	ssyncset.s32 @!p0 $0xFFFFF086;
	s6 =	sadd.s32 @!p0 s3, s7;
	s7 =	simm.s32 @!p0 $0x108  }
0x21: {  	s3 =	sadd.s32 s3, s9;
	s6 =	sadd.s32 @!p0 $0x88, s6;
	s7 =	simm.s32 @p2 $0x1082  }
0x22: {  	[simem:s7], [sflag:s8] =	dma.local @!p0 [hbm:s6], $0xF7A  }
0x23: {  	s9 =	sor.u32 $0xD0000000, s2;
	s6 =	simm.s32 $0x108;
	_ =	swait.ge @!p0 [sflag:s8], $0x0  }
0x24: {  	s3 =	sadd.s32 $0x88, s3;
	s6 =	simm.s32 @!p1 $0x1082;
	[sflag:s4] =	ssyncset.s32 $0xFFFFF086  }
0x25: {  	[simem:s6], [sflag:s4] =	dma.local [hbm:s3], $0xF7A  }
0x26: {  	[smem:$0x3F9F] =	sst s1;
	(tag) =	ssettag s2;
	_ =	strace s9  }
0x27: {  	s1 =	sld [smem:$0x3FAF]  }
0x28: {  	s2 =	sld [smem:$0x3FB0]  }
0x29: {  	s4 =	sld [smem:$0x3FB2]  }
0x2a: {  	p0 =	seq.s32 s5, $0x0;
	s5 =	sld [smem:$0x3FB3]  }
0x2b: {  	s6 =	sld [smem:$0x3FB4]  }
0x2c: {  	s7 =	sld [smem:$0x3FB5]  }
0x2d: {  	s3 =	simm.s32 $0x108;
	s8 =	sld [smem:$0x3FB6]  }
0x2e: {  	s3 =	simm.s32 @!p0 $0x1082;
	s9 =	sld [smem:$0x3FB7]  }
0x2f: {  	lr =	sadd.s32 s0, s3;
	s0 =	sld [smem:$0x3FAE]  }
0x30: {  	s3 =	sld [smem:$0x3FB1]  }
0x31: {  	[smem:$0x3FBA] =	sst s10  }
0x32: {  	s10 =	sld [smem:$0x3FB8];
	_ =	sdelay $0x3  }
0x33: {  	p0 =	seq.s32 s10, $0x1;
	s10 =	sld [smem:$0x3FBA];
	_ =	sdelay $0x3  }
0x34: {  	[smem:$0x3FBA] =	sst s10  }
0x35: {  	s10 =	sld [smem:$0x3FB9];
	_ =	sdelay $0x3  }
0x36: {  	p1 =	seq.s32 s10, $0x1;
	s10 =	sld [smem:$0x3FBA];
	_ =	sdelay $0x3  }
0x37: {  	[smem:$0x3FBA] =	sst s10  }
0x38: {  	s10 =	sld [smem:$0x3FBB]  }
0x39: {  	_ = 	snop;
	(pc) =	sbr.ind lr, $3  }
0x3a: {  	_ = 	snop  }
0x3b: {  	_ = 	snop  }
0x3c: {  	p2 =	seq.s32 s10, $0x1;
	s10 =	sld [smem:$0x3FBA]  }
0x3d: {  	_ =	shalt  }
0x3e: {  	_ =	shalt  }
0x3f: {  	_ =	shalt  }
0x40: {  	_ =	shalt  }
0x41: {  	_ =	shalt  }
0x42: {  	_ =	shalt  }
0x43: {  	_ =	shalt  }
0x44: {  	_ =	shalt  }
0x45: {  	_ =	shalt  }
0x46: {  	_ =	shalt  }
0x47: {  	_ =	shalt  }
0x48: {  	_ =	shalt  }
0x49: {  	_ =	shalt  }
0x4a: {  	_ =	shalt  }
0x4b: {  	_ =	shalt  }
0x4c: {  	_ =	shalt  }
0x4d: {  	_ =	shalt  }
0x4e: {  	_ =	shalt  }
0x4f: {  	_ =	shalt  }
0x50: {  	_ =	shalt  }
0x51: {  	_ =	shalt  }
0x52: {  	_ =	shalt  }
0x53: {  	_ =	shalt  }
0x54: {  	_ =	shalt  }
0x55: {  	_ =	shalt  }
0x56: {  	_ =	shalt  }
0x57: {  	_ =	shalt  }
0x58: {  	_ =	shalt  }
0x59: {  	_ =	shalt  }
0x5a: {  	_ =	shalt  }
0x5b: {  	_ =	shalt  }
0x5c: {  	_ =	shalt  }
0x5d: {  	_ =	shalt  }
0x5e: {  	_ =	shalt  }
0x5f: {  	_ =	shalt  }
0x60: {  	_ =	shalt  }
0x61: {  	_ =	shalt  }
0x62: {  	_ =	shalt  }
0x63: {  	_ =	shalt  }
0x64: {  	_ =	shalt  }
0x65: {  	_ =	shalt  }
0x66: {  	_ =	shalt  }
0x67: {  	_ =	shalt  }
0x68: {  	_ =	shalt  }
0x69: {  	_ =	shalt  }
0x6a: {  	_ =	shalt  }
0x6b: {  	_ =	shalt  }
0x6c: {  	_ =	shalt  }
0x6d: {  	_ =	shalt  }
0x6e: {  	_ =	shalt  }
0x6f: {  	_ =	shalt  }
0x70: {  	_ =	shalt  }
0x71: {  	_ =	shalt  }
0x72: {  	_ =	shalt  }
0x73: {  	_ =	shalt  }
0x74: {  	_ =	shalt  }
0x75: {  	_ =	shalt  }
0x76: {  	_ =	shalt  }
0x77: {  	_ =	shalt  }
0x78: {  	_ =	shalt  }
0x79: {  	_ =	shalt  }
0x7a: {  	_ =	shalt  }
0x7b: {  	_ =	shalt  }
0x7c: {  	_ =	shalt  }
0x7d: {  	_ =	shalt  }
0x7e: {  	_ =	shalt  }
0x7f: {  	_ =	shalt  }
0x80: {  	_ =	shalt  }
0x81: {  	_ =	shalt  }
0x82: {  	_ =	shalt  }
0x83: {  	_ =	shalt  }
0x84: {  	_ =	shalt  }
0x85: {  	_ =	shalt  }
0x86: {  	_ =	shalt  }
0x87: {  	_ =	shalt  }
.Lfunc_end0:
.L_simem_size_0:
called_computation_lowered:
.L_overlay_start_0:
0x88: {  	s2 =	sld [smem:$0x3FD9]  }
0x89: {  	s3 =	sld [smem:$0x3FFE];
	_ =	sdelay $0x1  }
0x8a: {  	s1 =	srdreg.scid  }
0x8b: {  	s0 =	sand.u32 $0x1, s1  }
0x8c: {  	s17 =	sshll.u32 s0, $0xA;
	s2 =	sadd.s32 s3, s2  }
0x8d: {  	s2 =	sadd.s32 s2, s17  }
0x8e: {  	[smem:$0x3FC6] =	sst s2  }
0x8f: {  	_ = 	snop  }
0x90: {  	s2 =	sld [smem:$0x3FC8]  }
0x91: {  	s18 =	sld [smem:$0x3FD0];
	(tm) =	ssettm $0x1  }
0x92: {  	s4 =	sld [smem:$0x3FFB];
	_ =	sdelay $0x3  }
0x93: {  	_ =	strace s4  }
0x94: {  	s4 =	sld [smem:$0x3FFC];
	_ =	sdelay $0x3  }
0x95: {  	_ =	strace s4  }
0x96: {  	s4 =	sld [smem:$0x3FFD];
	_ =	sdelay $0x3  }
0x97: {  	_ =	strace s4  }
0x98: {  	_ =	strace $0x8FFFFFFF  }
0x99: {  	s19 =	sld [smem:$0x3FDB];
	_ =	sdelay $0x1  }
0x9a: {  	s5 =	simm.s32 $_scs_section_size  }
0x9b: {  	s6 =	simm.s32 $_size__tile_overlayer_lowered;
	s7 =	simm.s32 $_tile_overlayer_lowered  }
0x9c: {  	s22 =	simm.s32 $0x1BFF;
	s21 =	sshll.u32 s7, $0x1;
	s4 =	sadd.s32 s5, s19  }
0x9d: {  	s8 =	simm.s32 $0x0;
	s20 =	sshll.u32 s6, $0x1;
	s6 =	sadd.s32 s21, s4  }
0x9e: {  	[timem:s8], [sflag:s22] =	dma.local [hbm:s6], s20  }
0x9f: {  	_ =	swait.ge [sflag:s22], s20  }
0xa0: {  	s5 =	ssub.s32 $0x0, s20;
	[sflag:s22] =	ssyncset.done $0x0  }
0xa1: {  	[sflag:s22] =	ssyncadd.s32 s5;
	_ =	sdelay $0x1  }
0xa2: {  	s23 =	simm.s32 $0x1B8B  }
0xa3: {  	_ =	swait.ge [sflag:s23], $0x1  }
0xa4: {  	[sflag:s23] =	ssyncset.done $0x0  }
0xa5: {  	s25 =	simm.s32 $0x1B8E;
	s24 =	sld [smem:$0x3FFE];
	[sflag:s23] =	ssyncadd.s32 $0xFFFFFFFF  }
0xa6: {  	s26 =	simm.s32 $execute0_lowered;
	[smem:$0x3FD2] =	sst s25  }
0xa7: {  	s6 =	sshll.u32 s26, $0x1;
	_ =	strace $0x80000046;
	[dreg:$0x1] =	wrdreg $0xFFFFFFFF  }
0xa8: {  	s28 =	simm.s32 $_size_execute0_lowered;
	s4 =	sadd.s32 s4, s6;
	[dreg:$0x0] =	wrdreg $0x0  }
0xa9: {  	s6 =	sshll.u32 s28, $0x1;
	[dreg:$0x2] =	wrdreg s4  }
0xaa: {  	[dreg:$0x3] =	wrdreg s6  }
0xab: {  	[dreg:$0x4] =	wrdreg $0xC0  }
0xac: {  	_ =	task [dreg:s8], $0x5FFFF  }
0xad: {  	[dreg:$0x1] =	wrdreg $0xFFFFFFFF  }
0xae: {  	[dreg:$0x0] =	wrdreg $0x60  }
0xaf: {  	[dreg:$0x2] =	wrdreg s24  }
0xb0: {  	[dreg:$0x3] =	wrdreg s2  }
0xb1: {  	[dreg:$0x4] =	wrdreg s18  }
0xb2: {  	[dreg:$0x5] =	wrdreg $0x9  }
0xb3: {  	_ =	task.clear_ibuf [dreg:s8], $0x6FFFF;
	_ =	strace $0x90000046  }
0xb4: {  	s29 =	simm.s32 $0x9;
	_ =	strace $0x80000048  }
0xb5: {  	_ =	swait.ge [sflag:s29], $0x1  }
0xb6: {  	[sflag:s29] =	ssyncadd.s32 $0xFFFFFFFF  }
0xb7: {  	_ =	strace $0x90000048  }
0xb8: {  	_ =	sfence  }
0xb9: {  	s30 =	sld [smem:$0x0];
	_ =	sdelay $0x2  }
0xba: {  	s31 =	sshll.u32 s1, $0xD;
	s1 =	sshrl.u32 s1, $0x2  }
0xbb: {  	s3 =	sand.u32 $0x4000, s31;
	s1 =	sadd.s32 s1, s30  }
0xbc: {  	s0 =	sor.u32 s3, s0;
	s1 =	sshll.u32 s1, $0x11  }
0xbd: {  	s0 =	sor.u32 s1, s0  }
0xbe: {  	s0 =	sadd.s32 $0x8F2B, s0  }
0xbf: {  	[sflag:s0] =	ssyncadd.remote.s32 $0x1  }
0xc0: {  	_ =	sfence.sel $0xFFFF  }
0xc1: {  	[dreg:$0x0] =	wrdreg $0xFFFFFFFF;
	(pc) =	sbr.abs _section_cstart, $3  }
0xc2: {  	[dreg:$0x1] =	wrdreg $0xFFFFFFFF  }
0xc3: {  	_ =	task.clear_ibuf [dreg:s8], $0x2FFFF;
	_ =	strace $0x9FFFFFFF  }
0xc4: {  	(tm) =	ssettm $0x7FFFFFFF  }
0xc5: {  	_ =	shalt  }
tec
execute0_lowered:
.L_overlay_start_1:
0x0: {  	(tag) =	ssettag $0x1  }
0x1: {  	s0 =	rddreg [dreg:$0x0]  }
0x2: {  	s7 =	rddreg [dreg:$0x1]  }
0x3: {  	s2 =	rddreg [dreg:$0x2];
	s3 =	simm.s32 $0x0  }
0x4: {  	s1 =	simm.s32 $0x1800;
	[smem:$0x7FF] =	sst s3  }
0x5: {  	s20 =	simm.s32 $0x2000;
	_ =	strace $0x80000047;
	[dreg:$0x4] =	wrdreg s1  }
0x6: {  	s21 =	simm.s32 $0x2800;
	[dreg:$0x5] =	wrdreg s20  }
0x7: {  	s22 =	simm.s32 $0x3000;
	[dreg:$0x6] =	wrdreg s21  }
0x8: {  	s23 =	simm.s32 $0x3800;
	[dreg:$0x7] =	wrdreg s22  }
0x9: {  	s24 =	simm.s32 $0x4800;
	[dreg:$0x8] =	wrdreg s23  }
0xa: {  	s25 =	simm.s32 $0x5000;
	[dreg:$0x9] =	wrdreg s24  }
0xb: {  	s26 =	simm.s32 $0x5800;
	[dreg:$0xa] =	wrdreg s25  }
0xc: {  	s28 =	simm.s32 $0x6000;
	[dreg:$0xb] =	wrdreg s26  }
0xd: {  	s31 =	simm.s32 $0x6800;
	[dreg:$0xc] =	wrdreg s28  }
0xe: {  	s6 =	simm.s32 $0x7800;
	[dreg:$0xd] =	wrdreg s31  }
0xf: {  	s8 =	simm.s32 $0x8000;
	[dreg:$0xe] =	wrdreg s6  }
0x10: {  	s9 =	simm.s32 $0x8800;
	[dreg:$0xf] =	wrdreg s8  }
0x11: {  	s10 =	simm.s32 $0x9000;
	[dreg:$0x10] =	wrdreg s9  }
0x12: {  	s11 =	simm.s32 $0x9800;
	[dreg:$0x11] =	wrdreg s10  }
0x13: {  	s12 =	simm.s32 $0xA800;
	[dreg:$0x12] =	wrdreg s11  }
0x14: {  	s13 =	simm.s32 $0xB000;
	[dreg:$0x13] =	wrdreg s12  }
0x15: {  	s15 =	simm.s32 $0xB800;
	[dreg:$0x14] =	wrdreg s13  }
0x16: {  	s16 =	simm.s32 $0xC000;
	[dreg:$0x15] =	wrdreg s15  }
0x17: {  	s17 =	simm.s32 $0xC800;
	[dreg:$0x16] =	wrdreg s16  }
0x18: {  	s18 =	simm.s32 $0xD800;
	[dreg:$0x17] =	wrdreg s17  }
0x19: {  	s19 =	simm.s32 $0xE000;
	[dreg:$0x18] =	wrdreg s18  }
0x1a: {  	[dreg:$0x19] =	wrdreg s19;
	s20 =	simm.s32 $0xE800  }
0x1b: {  	s21 =	simm.s32 $0xF000;
	[dreg:$0x1a] =	wrdreg s20  }
0x1c: {  	s22 =	simm.s32 $0xF800;
	[dreg:$0x1b] =	wrdreg s21  }
0x1d: {  	s24 =	simm.s32 $0x10800;
	[dreg:$0x1c] =	wrdreg s22  }
0x1e: {  	s4 =	srdreg.scid;
	s25 =	simm.s32 $0x11000;
	[dreg:$0x1d] =	wrdreg s24  }
0x1f: {  	s5 =	stileid.u32;
	s26 =	simm.s32 $0x11800;
	[dreg:$0x1e] =	wrdreg s25  }
0x20: {  	s29 =	simm.s32 $0x80;
	s31 =	simm.s32 $0x12000;
	[dreg:$0x1f] =	wrdreg s26  }
0x21: {  	s4 =	sand.u32 $0x1, s4;
	s13 =	simm.s32 $0x13800;
	[smem:$0x7EA] =	sst s31  }
0x22: {  	s5 =	sshll.u32 s5, $0x6;
	s16 =	simm.s32 $0x14800;
	[smem:$0x7EC] =	sst s13  }
0x23: {  	s30 =	sadd.s32 $0x6000, s7;
	s18 =	simm.s32 $0x15000;
	[smem:$0x7EF] =	sst s16  }
0x24: {  	s6 =	sshll.u32 s4, $0x5;
	s8 =	sadd.s32 $0x1000, s7;
	[smem:$0x7F1] =	sst s18  }
0x25: {  	s4 =	ssub.s32 $0x2, s4;
	s9 =	sadd.s32 $0x1800, s7;
	[smem:$0x7FB] =	sst s8  }
0x26: {  	s10 =	sadd.s32 $0x2000, s7;
	s6 =	sor.u32 s6, s5;
	[smem:$0x7FC] =	sst s9  }
0x27: {  	s11 =	sadd.s32 $0x2800, s7;
	s20 =	simm.s32 $0x15800;
	[smem:$0x7E9] =	sst s6  }
0x28: {  	s23 =	sadd.s32 $0x3000, s7;
	s22 =	simm.s32 $0x16800;
	[smem:$0x7F3] =	sst s20  }
0x29: {  	s12 =	sadd.s32 $0x3000, s2;
	s24 =	simm.s32 $0x17000;
	[smem:$0x7F5] =	sst s22  }
0x2a: {  	s14 =	sshrl.u32 s4, $0x1;
	s26 =	simm.s32 $0x17800;
	[smem:$0x7F7] =	sst s24  }
0x2b: {  	s31 =	simm.s32 $0x18800;
	s5 =	sshll.u32 s6, $0x4;
	[smem:$0x7F8] =	sst s26  }
0x2c: {  	s28 =	sshrl.u32 s6, $0x3;
	s6 =	simm.s32 $0x12800;
	[smem:$0x7FA] =	sst s31  }
0x2d: {  	s4 =	ssub.s32 s4, s14;
	s14 =	simm.s32 $0x14000;
	[smem:$0x7EB] =	sst s6  }
0x2e: {  	s1 =	smul.u32 $0x60000, s28;
	[smem:$0x7ED] =	sst s14;
	s25 =	smax.u32 s4, $0x1  }
0x2f: {  	s0 =	sadd.s32 s5, s0;
	s28 =	simm.s32 $0x18000;
	[smem:$0x7F6] =	sst s25  }
0x30: {  	s5 =	sadd.s32 $0x800, s7;
	[smem:$0x7F9] =	sst s28;
	s1 =	sshrl.u32 s1, $0x3  }
0x31: {  	s0 =	sadd.s32 $0x400, s0;
	[smem:$0x7FD] =	sst s5;
	s1 =	sadd.s32 s2, s1  }
0x32: {  	s15 =	sadd.s32 $0x9000, s7;
	[smem:$0x7E8] =	sst s0;
	s17 =	sadd.s32 $0x24070, s1  }
0x33: {  	s13 =	simm.s32 $0x4000;
	s19 =	sadd.s32 $0x27070, s1;
	[smem:$0x7EE] =	sst s17  }
0x34: {  	s16 =	simm.s32 $0xA000;
	s21 =	sadd.s32 $0x2A070, s1;
	[smem:$0x7F0] =	sst s19  }
0x35: {  	v1 =	vlaneseq.u32;
	s22 =	simm.s32 $0x7000;
	s1 =	sadd.s32 $0x2D070, s1;
	[smem:$0x7F2] =	sst s21  }
0x36: {  	v0 =	vimm.s32 $0x0;
	vm0 =	vmmov $0xffff;
	v1 =	vmul.u32 $0x8, v1;
	s6 =	simm.s32 $0x0;
	[smem:$0x7F4] =	sst s1;
	s1 =	simm.s32 $0x1000  }
.LBB2_1:
0x37: {  	s0 =	sld [smem:$0x7E8];
	_ =	sdelay $0x1  }
0x38: {  	[smem:$0x7E7] =	sst s6;
	s31 =	simm.s32 $0x11  }
0x39: {  	[tilespmem:s3], [sflag:$0x11] =	stream.linear.gather [hbm4b:s0+s3], $0x1000, $0x38;
	[tilespmem:$0x19000] =	vst v63  }
0x3a: {  	_ =	swait.ge [sflag:s31], $0x1000  }
0x3b: {  	s21 =	simm.s32 $0x80;
	[sflag:s31] =	ssyncset.done $0x0  }
0x3c: {  	s17 =	simm.s32 $0x0;
	s20 =	sld [smem:$0x7E9];
	[sflag:s31] =	ssyncadd.s32 $0xFFFFF000  }
.LBB2_2:
0x3d: {  	p0 =	seq.s32 s17, $0x0  }
0x3e: {  	s0 =	simm.s32 @!p0 $0x9  }
0x3f: {  	_ =	swait.ge @!p0 [sflag:s0], $0x3000  }
0x40: {  	[sflag:s0] =	ssyncset.done @!p0 $0x0  }
0x41: {  	[sflag:s0] =	ssyncadd.s32 @!p0 $0xFFFFD000  }
0x42: {  	v2 =	vld.msk [tilespmem:s21+$0xFFFFFF80], $0x1;
	_ =	sdelay $0x4  }
0x43: {  	v3 =	vshrl.u32 v2, $0x3  }
0x44: {  	v3 =	vmul.u32 $0xC00, v3  }
0x45: {  	v2 =	vand.u32 $0x7, v2  }
0x46: {  	v2 =	vor.u32 v2, v3  }
0x47: {  	v2 =	vperm.xlane v2, v0;
	_ =	sdelay $0x1  }
0x48: {  	v2 =	vadd.s32 v1, v2;
	_ =	sdelay $0x4  }
0x49: {  	[tilespmem:s1], [sflag:$0x1] =	stream.indirect_vreg.gather [hbm4b:s7+s3], $0x80, v2, vm0, $0xb8;
	[tilespmem:$0x19000] =	vst v63  }
0x4a: {  	s26 =	rddreg [dreg:$0x4]  }
0x4b: {  	[tilespmem:s26], [sflag:$0x1] =	stream.indirect_vreg.gather [hbm4b:s5+s3], $0x80, v2, vm0, $0xb8;
	[tilespmem:$0x19000] =	vst v63  }
0x4c: {  	s28 =	rddreg [dreg:$0x5];
	s0 =	sadd.s32 @!p0 $0xFFFFFFFF, s20  }
0x4d: {  	[tilespmem:s28], [sflag:$0x1] =	stream.indirect_vreg.gather [hbm4b:s8+s3], $0x80, v2, vm0, $0xb8;
	[tilespmem:$0x19000] =	vst v63  }
0x4e: {  	s31 =	rddreg [dreg:$0x6];
	s0 =	sshrl.u32 @!p0 s0, $0x3;
	s1 =	sadd.s32 @!p0 $0xFFFFFF80, s17  }
0x4f: {  	[tilespmem:s31], [sflag:$0x1] =	stream.indirect_vreg.gather [hbm4b:s9+s3], $0x80, v2, vm0, $0xb8;
	[tilespmem:$0x19000] =	vst v63  }
0x50: {  	s4 =	rddreg [dreg:$0x7];
	s0 =	smul.u32 @!p0 $0x60000, s0;
	s1 =	sand.u32 @!p0 $0x380, s1  }
0x51: {  	[tilespmem:s4], [sflag:$0x1] =	stream.indirect_vreg.gather [hbm4b:s10+s3], $0x80, v2, vm0, $0xb8;
	[tilespmem:$0x19000] =	vst v63  }
0x52: {  	s5 =	rddreg [dreg:$0x8];
	s8 =	sor.u32 @!p0 s1, s0;
	s4 =	simm.s32 @!p0 $0x5  }
0x53: {  	[tilespmem:s5], [sflag:$0x1] =	stream.indirect_vreg.gather [hbm4b:s11+s3], $0x80, v2, vm0, $0xb8;
	[tilespmem:$0x19000] =	vst v63  }
0x54: {  	s0 =	sshrl.u32 @!p0 s8, $0x3;
	_ =	swait.ge @!p0 [sflag:s4], $0x3000  }
0x55: {  	s7 =	simm.s32 @!p0 $0x80;
	s1 =	sadd.s32 @!p0 s2, s0;
	[sflag:s4] =	ssyncset.done @!p0 $0x0  }
0x56: {  	s9 =	simm.s32 @!p0 $0x400;
	[sflag:s4] =	ssyncadd.s32 @!p0 $0xFFFFD000;
	s4 =	simm.s32 @!p0 $0xD000  }
0x57: {  	[hbm4b:s1+s7] =	stream.strided.scatter @!p0 [tilespmem:s4], [sflag:$0xD], $0x3000, s9, s7, $0x38;
	[tilespmem:$0x19000] =	vst v63  }
0x58: {  	s1 =	simm.s32 @!p0 $0xA  }
0x59: {  	_ =	swait.ge @!p0 [sflag:s1], $0x3000  }
0x5a: {  	[sflag:s1] =	ssyncset.done @!p0 $0x0  }
0x5b: {  	[sflag:s1] =	ssyncadd.s32 @!p0 $0xFFFFD000  }
0x5c: {  	v2 =	vld.msk [tilespmem:s21+$0xFFFFFF80], $0x1;
	_ =	sdelay $0x4  }
0x5d: {  	v3 =	vshrl.u32 v2, $0x3  }
0x5e: {  	v3 =	vmul.u32 $0xC00, v3  }
0x5f: {  	v2 =	vand.u32 $0x7, v2  }
0x60: {  	v2 =	vor.u32 v2, v3  }
0x61: {  	v2 =	vperm.xlane v2, v0;
	_ =	sdelay $0x1  }
0x62: {  	v2 =	vadd.s32 v1, v2;
	_ =	sdelay $0x1  }
0x63: {  	s6 =	rddreg [dreg:$0x9]  }
0x64: {  	s24 =	sadd.s32 $0x1800, s23;
	s14 =	rddreg [dreg:$0xb]  }
0x65: {  	[smem:$0x7E4] =	sst s24  }
0x66: {  	[tilespmem:s13], [sflag:$0x2] =	stream.indirect_vreg.gather [hbm4b:s23+s3], $0x80, v2, vm0, $0xb8;
	[tilespmem:$0x19000] =	vst v63  }
0x67: {  	s18 =	sadd.s32 $0x800, s23;
	s25 =	rddreg [dreg:$0xc]  }
0x68: {  	[tilespmem:s6], [sflag:$0x2] =	stream.indirect_vreg.gather [hbm4b:s18+s3], $0x80, v2, vm0, $0xb8;
	[tilespmem:$0x19000] =	vst v63  }
0x69: {  	s19 =	sadd.s32 $0x1000, s23;
	s26 =	sadd.s32 $0x2000, s23;
	s13 =	rddreg [dreg:$0xa]  }
0x6a: {  	[tilespmem:s13], [sflag:$0x2] =	stream.indirect_vreg.gather [hbm4b:s19+s3], $0x80, v2, vm0, $0xb8;
	[tilespmem:$0x19000] =	vst v63  }
0x6b: {  	[smem:$0x7E5] =	sst s26  }
0x6c: {  	[tilespmem:s14], [sflag:$0x2] =	stream.indirect_vreg.gather [hbm4b:s24+s3], $0x80, v2, vm0, $0xb8;
	[tilespmem:$0x19000] =	vst v63  }
0x6d: {  	s31 =	sadd.s32 $0x2800, s23;
	s28 =	rddreg [dreg:$0xd]  }
0x6e: {  	[tilespmem:s25], [sflag:$0x2] =	stream.indirect_vreg.gather [hbm4b:s26+s3], $0x80, v2, vm0, $0xb8;
	[tilespmem:$0x19000] =	vst v63  }
0x6f: {  	[smem:$0x7E6] =	sst s31;
	s1 =	simm.s32 @!p0 $0x6  }
0x70: {  	[tilespmem:s28], [sflag:$0x2] =	stream.indirect_vreg.gather [hbm4b:s31+s3], $0x80, v2, vm0, $0xb8;
	[tilespmem:$0x19000] =	vst v63  }
0x71: {  	_ =	swait.ge @!p0 [sflag:s1], $0x3000  }
0x72: {  	[sflag:s1] =	ssyncset.done @!p0 $0x0  }
0x73: {  	s0 =	sadd.s32 @!p0 s0, s12;
	[sflag:s1] =	ssyncadd.s32 @!p0 $0xFFFFD000;
	s1 =	simm.s32 @!p0 $0x10000  }
0x74: {  	[hbm4b:s0+s7] =	stream.strided.scatter @!p0 [tilespmem:s1], [sflag:$0xE], $0x3000, s9, s7, $0x38;
	[tilespmem:$0x19000] =	vst v63  }
0x75: {  	s0 =	simm.s32 @!p0 $0xB  }
0x76: {  	_ =	swait.ge @!p0 [sflag:s0], $0x3000  }
0x77: {  	[sflag:s0] =	ssyncset.done @!p0 $0x0  }
0x78: {  	[sflag:s0] =	ssyncadd.s32 @!p0 $0xFFFFD000  }
0x79: {  	v2 =	vld.msk [tilespmem:s21+$0xFFFFFF80], $0x1;
	_ =	sdelay $0x4  }
0x7a: {  	v3 =	vshrl.u32 v2, $0x3  }
0x7b: {  	v3 =	vmul.u32 $0xC00, v3  }
0x7c: {  	v2 =	vand.u32 $0x7, v2  }
0x7d: {  	v2 =	vor.u32 v2, v3  }
0x7e: {  	v2 =	vperm.xlane v2, v0;
	_ =	sdelay $0x1  }
0x7f: {  	v2 =	vadd.s32 v1, v2;
	_ =	sdelay $0x4  }
0x80: {  	[tilespmem:s22], [sflag:$0x3] =	stream.indirect_vreg.gather [hbm4b:s30+s3], $0x80, v2, vm0, $0xb8;
	[tilespmem:$0x19000] =	vst v63  }
0x81: {  	s31 =	sadd.s32 $0x800, s30;
	s1 =	rddreg [dreg:$0xe]  }
0x82: {  	[tilespmem:s1], [sflag:$0x3] =	stream.indirect_vreg.gather [hbm4b:s31+s3], $0x80, v2, vm0, $0xb8;
	[tilespmem:$0x19000] =	vst v63  }
0x83: {  	s6 =	rddreg [dreg:$0xf];
	s1 =	sadd.s32 $0x1000, s30  }
0x84: {  	[tilespmem:s6], [sflag:$0x3] =	stream.indirect_vreg.gather [hbm4b:s1+s3], $0x80, v2, vm0, $0xb8;
	[tilespmem:$0x19000] =	vst v63  }
0x85: {  	s4 =	rddreg [dreg:$0x10];
	s22 =	sadd.s32 $0x1800, s30  }
0x86: {  	[tilespmem:s4], [sflag:$0x3] =	stream.indirect_vreg.gather [hbm4b:s22+s3], $0x80, v2, vm0, $0xb8;
	[tilespmem:$0x19000] =	vst v63  }
0x87: {  	s26 =	sadd.s32 $0x2000, s30;
	s5 =	rddreg [dreg:$0x11]  }
0x88: {  	[tilespmem:s5], [sflag:$0x3] =	stream.indirect_vreg.gather [hbm4b:s26+s3], $0x80, v2, vm0, $0xb8;
	[tilespmem:$0x19000] =	vst v63  }
0x89: {  	s13 =	rddreg [dreg:$0x12];
	s0 =	simm.s32 @!p0 $0x7;
	s5 =	sadd.s32 $0x2800, s30  }
0x8a: {  	[tilespmem:s13], [sflag:$0x3] =	stream.indirect_vreg.gather [hbm4b:s5+s3], $0x80, v2, vm0, $0xb8;
	[tilespmem:$0x19000] =	vst v63  }
0x8b: {  	s6 =	sadd.s32 @!p0 $0x30000, s8;
	_ =	swait.ge @!p0 [sflag:s0], $0x3000  }
0x8c: {  	s6 =	sshrl.u32 @!p0 s6, $0x3;
	[sflag:s0] =	ssyncset.done @!p0 $0x0  }
0x8d: {  	[sflag:s0] =	ssyncadd.s32 @!p0 $0xFFFFD000;
	s0 =	sadd.s32 @!p0 s2, s6;
	s6 =	simm.s32 @!p0 $0x13000  }
0x8e: {  	[hbm4b:s0+s7] =	stream.strided.scatter @!p0 [tilespmem:s6], [sflag:$0xF], $0x3000, s9, s7, $0x38;
	[tilespmem:$0x19000] =	vst v63  }
0x8f: {  	s0 =	simm.s32 @!p0 $0xC  }
0x90: {  	_ =	swait.ge @!p0 [sflag:s0], $0x3000  }
0x91: {  	[sflag:s0] =	ssyncset.done @!p0 $0x0  }
0x92: {  	[sflag:s0] =	ssyncadd.s32 @!p0 $0xFFFFD000  }
0x93: {  	v2 =	vld.msk [tilespmem:s21+$0xFFFFFF80], $0x1;
	_ =	sdelay $0x4  }
0x94: {  	v3 =	vshrl.u32 v2, $0x3  }
0x95: {  	v3 =	vmul.u32 $0xC00, v3  }
0x96: {  	v2 =	vand.u32 $0x7, v2  }
0x97: {  	v2 =	vor.u32 v2, v3  }
0x98: {  	v2 =	vperm.xlane v2, v0;
	_ =	sdelay $0x1  }
0x99: {  	v2 =	vadd.s32 v1, v2;
	_ =	sdelay $0x4  }
0x9a: {  	[tilespmem:s16], [sflag:$0x4] =	stream.indirect_vreg.gather [hbm4b:s15+s3], $0x80, v2, vm0, $0xb8;
	[tilespmem:$0x19000] =	vst v63  }
0x9b: {  	s25 =	sadd.s32 $0x800, s15;
	s14 =	rddreg [dreg:$0x13]  }
0x9c: {  	[tilespmem:s14], [sflag:$0x4] =	stream.indirect_vreg.gather [hbm4b:s25+s3], $0x80, v2, vm0, $0xb8;
	[tilespmem:$0x19000] =	vst v63  }
0x9d: {  	s28 =	sadd.s32 $0x1000, s15;
	s24 =	rddreg [dreg:$0x14]  }
0x9e: {  	[tilespmem:s24], [sflag:$0x4] =	stream.indirect_vreg.gather [hbm4b:s28+s3], $0x80, v2, vm0, $0xb8;
	[tilespmem:$0x19000] =	vst v63  }
0x9f: {  	s13 =	smov.u32 s12;
	s0 =	rddreg [dreg:$0x15];
	s24 =	sadd.s32 $0x1800, s15  }
0xa0: {  	[tilespmem:s0], [sflag:$0x4] =	stream.indirect_vreg.gather [hbm4b:s24+s3], $0x80, v2, vm0, $0xb8;
	[tilespmem:$0x19000] =	vst v63  }
0xa1: {  	s12 =	smov.u32 s10;
	s4 =	rddreg [dreg:$0x16];
	s14 =	sadd.s32 $0x2000, s15  }
0xa2: {  	[tilespmem:s4], [sflag:$0x4] =	stream.indirect_vreg.gather [hbm4b:s14+s3], $0x80, v2, vm0, $0xb8;
	[tilespmem:$0x19000] =	vst v63  }
0xa3: {  	s10 =	simm.s32 @!p0 $0x8;
	s6 =	rddreg [dreg:$0x17];
	s16 =	sadd.s32 $0x2800, s15  }
0xa4: {  	[tilespmem:s6], [sflag:$0x4] =	stream.indirect_vreg.gather [hbm4b:s16+s3], $0x80, v2, vm0, $0xb8;
	[tilespmem:$0x19000] =	vst v63  }
0xa5: {  	s8 =	sadd.s32 @!p0 $0x48000, s8;
	_ =	swait.ge @!p0 [sflag:s10], $0x3000  }
0xa6: {  	s8 =	sshrl.u32 @!p0 s8, $0x3;
	[sflag:s10] =	ssyncset.done @!p0 $0x0  }
0xa7: {  	s8 =	sadd.s32 @!p0 s2, s8;
	[sflag:s10] =	ssyncadd.s32 @!p0 $0xFFFFD000;
	s10 =	simm.s32 @!p0 $0x16000  }
0xa8: {  	[hbm4b:s8+s7] =	stream.strided.scatter @!p0 [tilespmem:s10], [sflag:$0x10], $0x3000, s9, s7, $0x38;
	[tilespmem:$0x19000] =	vst v63  }
0xa9: {  	s7 =	simm.s32 @!p0 $0xD  }
0xaa: {  	_ =	swait.ge @!p0 [sflag:s7], $0x3000  }
0xab: {  	[sflag:s7] =	ssyncset.done @!p0 $0x0  }
0xac: {  	[sflag:s7] =	ssyncadd.s32 @!p0 $0xFFFFD000  }
0xad: {  	v2 =	vld.msk [tilespmem:s21+$0x0], $0x1;
	_ =	sdelay $0x4  }
0xae: {  	v3 =	vshrl.u32 v2, $0x3  }
0xaf: {  	v3 =	vmul.u32 $0xC00, v3  }
0xb0: {  	v2 =	vand.u32 $0x7, v2  }
0xb1: {  	v2 =	vor.u32 v2, v3  }
0xb2: {  	v2 =	vperm.xlane v2, v0;
	_ =	sdelay $0x1  }
0xb3: {  	v2 =	vadd.s32 v1, v2  }
0xb4: {  	s9 =	rddreg [dreg:$0x18]  }
0xb5: {  	s4 =	rddreg [dreg:$0x19]  }
0xb6: {  	s0 =	smov.u32 s30;
	s6 =	sld [smem:$0x7FD]  }
0xb7: {  	s30 =	smov.u32 s11;
	s11 =	simm.s32 $0xD000;
	s10 =	rddreg [dreg:$0x1]  }
0xb8: {  	[tilespmem:s11], [sflag:$0x5] =	stream.indirect_vreg.gather [hbm4b:s10+s3], $0x80, v2, vm0, $0xb8;
	[tilespmem:$0x19000] =	vst v63  }
0xb9: {  	s11 =	sld [smem:$0x7FB]  }
0xba: {  	[tilespmem:s9], [sflag:$0x5] =	stream.indirect_vreg.gather [hbm4b:s6+s3], $0x80, v2, vm0, $0xb8;
	[tilespmem:$0x19000] =	vst v63  }
0xbb: {  	s6 =	sld [smem:$0x7FC]  }
0xbc: {  	[tilespmem:s4], [sflag:$0x5] =	stream.indirect_vreg.gather [hbm4b:s11+s3], $0x80, v2, vm0, $0xb8;
	[tilespmem:$0x19000] =	vst v63  }
0xbd: {  	s10 =	rddreg [dreg:$0x1a]  }
0xbe: {  	[tilespmem:s10], [sflag:$0x5] =	stream.indirect_vreg.gather [hbm4b:s6+s3], $0x80, v2, vm0, $0xb8;
	[tilespmem:$0x19000] =	vst v63  }
0xbf: {  	s8 =	sand.u32 $0x300, s17;
	s4 =	rddreg [dreg:$0x1b];
	s11 =	sshrl.u32 s20, $0x3  }
0xc0: {  	[tilespmem:s4], [sflag:$0x5] =	stream.indirect_vreg.gather [hbm4b:s12+s3], $0x80, v2, vm0, $0xb8;
	[tilespmem:$0x19000] =	vst v63  }
0xc1: {  	s7 =	smul.u32 $0x60000, s11;
	s10 =	rddreg [dreg:$0x1c];
	s4 =	simm.s32 $0x1  }
0xc2: {  	[tilespmem:s10], [sflag:$0x5] =	stream.indirect_vreg.gather [hbm4b:s30+s3], $0x80, v2, vm0, $0xb8;
	[tilespmem:$0x19000] =	vst v63  }
0xc3: {  	s6 =	simm.s32 $0x400;
	s10 =	sor.u32 s8, s7;
	_ =	swait.ge [sflag:s4], $0x3000  }
0xc4: {  	s9 =	sshrl.u32 s10, $0x3;
	s10 =	simm.s32 @!p0 $0xE;
	[sflag:s4] =	ssyncset.done $0x0  }
0xc5: {  	s11 =	sadd.s32 s2, s9;
	[sflag:s4] =	ssyncadd.s32 $0xFFFFD000;
	s4 =	simm.s32 $0x1000  }
0xc6: {  	[hbm4b:s11+s29] =	stream.strided.scatter [tilespmem:s4], [sflag:$0x9], $0x3000, s6, s29, $0x38;
	[tilespmem:$0x19000] =	vst v63  }
0xc7: {  	_ =	swait.ge @!p0 [sflag:s10], $0x3000  }
0xc8: {  	[sflag:s10] =	ssyncset.done @!p0 $0x0  }
0xc9: {  	[sflag:s10] =	ssyncadd.s32 @!p0 $0xFFFFD000  }
0xca: {  	v2 =	vld.msk [tilespmem:s21+$0x0], $0x1;
	_ =	sdelay $0x4  }
0xcb: {  	v3 =	vshrl.u32 v2, $0x3  }
0xcc: {  	v3 =	vmul.u32 $0xC00, v3  }
0xcd: {  	v2 =	vand.u32 $0x7, v2  }
0xce: {  	v2 =	vor.u32 v2, v3  }
0xcf: {  	v2 =	vperm.xlane v2, v0;
	_ =	sdelay $0x1  }
0xd0: {  	v2 =	vadd.s32 v1, v2;
	_ =	sdelay $0x3  }
0xd1: {  	s4 =	simm.s32 $0x10000  }
0xd2: {  	[tilespmem:s4], [sflag:$0x6] =	stream.indirect_vreg.gather [hbm4b:s23+s3], $0x80, v2, vm0, $0xb8;
	[tilespmem:$0x19000] =	vst v63  }
0xd3: {  	s10 =	rddreg [dreg:$0x1d]  }
0xd4: {  	[tilespmem:s10], [sflag:$0x6] =	stream.indirect_vreg.gather [hbm4b:s18+s3], $0x80, v2, vm0, $0xb8;
	[tilespmem:$0x19000] =	vst v63  }
0xd5: {  	s4 =	rddreg [dreg:$0x1e]  }
0xd6: {  	[tilespmem:s4], [sflag:$0x6] =	stream.indirect_vreg.gather [hbm4b:s19+s3], $0x80, v2, vm0, $0xb8;
	[tilespmem:$0x19000] =	vst v63  }
0xd7: {  	s4 =	sld [smem:$0x7E4]  }
0xd8: {  	s11 =	sld [smem:$0x7EA]  }
0xd9: {  	s10 =	rddreg [dreg:$0x1f]  }
0xda: {  	[tilespmem:s10], [sflag:$0x6] =	stream.indirect_vreg.gather [hbm4b:s4+s3], $0x80, v2, vm0, $0xb8;
	[tilespmem:$0x19000] =	vst v63  }
0xdb: {  	s4 =	sld [smem:$0x7E5];
	_ =	sdelay $0x1  }
0xdc: {  	s10 =	sld [smem:$0x7EB]  }
0xdd: {  	[tilespmem:s11], [sflag:$0x6] =	stream.indirect_vreg.gather [hbm4b:s4+s3], $0x80, v2, vm0, $0xb8;
	[tilespmem:$0x19000] =	vst v63  }
0xde: {  	s4 =	sld [smem:$0x7E6];
	_ =	sdelay $0x1  }
0xdf: {  	s18 =	simm.s32 $0x2  }
0xe0: {  	[tilespmem:s10], [sflag:$0x6] =	stream.indirect_vreg.gather [hbm4b:s4+s3], $0x80, v2, vm0, $0xb8;
	[tilespmem:$0x19000] =	vst v63  }
0xe1: {  	s10 =	smov.u32 s12;
	_ =	swait.ge [sflag:s18], $0x3000  }
0xe2: {  	s12 =	smov.u32 s13;
	s13 =	simm.s32 $0x4000;
	[sflag:s18] =	ssyncset.done $0x0  }
0xe3: {  	s4 =	simm.s32 @!p0 $0xF;
	s9 =	sadd.s32 s9, s12;
	[sflag:s18] =	ssyncadd.s32 $0xFFFFD000  }
0xe4: {  	[hbm4b:s9+s29] =	stream.strided.scatter [tilespmem:s13], [sflag:$0xA], $0x3000, s6, s29, $0x38;
	[tilespmem:$0x19000] =	vst v63  }
0xe5: {  	_ =	swait.ge @!p0 [sflag:s4], $0x3000  }
0xe6: {  	[sflag:s4] =	ssyncset.done @!p0 $0x0  }
0xe7: {  	[sflag:s4] =	ssyncadd.s32 @!p0 $0xFFFFD000  }
0xe8: {  	v2 =	vld.msk [tilespmem:s21+$0x0], $0x1;
	_ =	sdelay $0x4  }
0xe9: {  	v3 =	vshrl.u32 v2, $0x3  }
0xea: {  	v3 =	vmul.u32 $0xC00, v3  }
0xeb: {  	v2 =	vand.u32 $0x7, v2  }
0xec: {  	v2 =	vor.u32 v2, v3  }
0xed: {  	v2 =	vperm.xlane v2, v0;
	_ =	sdelay $0x1  }
0xee: {  	v2 =	vadd.s32 v1, v2;
	_ =	sdelay $0x2  }
0xef: {  	s11 =	smov.u32 s30  }
0xf0: {  	s30 =	smov.u32 s0;
	s18 =	simm.s32 $0x13000;
	s0 =	sld [smem:$0x7EC]  }
0xf1: {  	[tilespmem:s18], [sflag:$0x7] =	stream.indirect_vreg.gather [hbm4b:s30+s3], $0x80, v2, vm0, $0xb8;
	[tilespmem:$0x19000] =	vst v63  }
0xf2: {  	s9 =	sld [smem:$0x7ED]  }
0xf3: {  	[tilespmem:s0], [sflag:$0x7] =	stream.indirect_vreg.gather [hbm4b:s31+s3], $0x80, v2, vm0, $0xb8;
	[tilespmem:$0x19000] =	vst v63  }
0xf4: {  	s0 =	sld [smem:$0x7EF]  }
0xf5: {  	s31 =	sld [smem:$0x7F1]  }
0xf6: {  	[tilespmem:s9], [sflag:$0x7] =	stream.indirect_vreg.gather [hbm4b:s1+s3], $0x80, v2, vm0, $0xb8;
	[tilespmem:$0x19000] =	vst v63  }
0xf7: {  	s9 =	sld [smem:$0x7FC]  }
0xf8: {  	[tilespmem:s0], [sflag:$0x7] =	stream.indirect_vreg.gather [hbm4b:s22+s3], $0x80, v2, vm0, $0xb8;
	[tilespmem:$0x19000] =	vst v63  }
0xf9: {  	s0 =	sld [smem:$0x7F3]  }
0xfa: {  	[tilespmem:s31], [sflag:$0x7] =	stream.indirect_vreg.gather [hbm4b:s26+s3], $0x80, v2, vm0, $0xb8;
	[tilespmem:$0x19000] =	vst v63  }
0xfb: {  	s19 =	simm.s32 $0x3;
	s1 =	sadd.s32 s8, s7;
	s8 =	sld [smem:$0x7FB]  }
0xfc: {  	[tilespmem:s0], [sflag:$0x7] =	stream.indirect_vreg.gather [hbm4b:s5+s3], $0x80, v2, vm0, $0xb8;
	[tilespmem:$0x19000] =	vst v63  }
0xfd: {  	s7 =	rddreg [dreg:$0x1];
	s5 =	sadd.s32 $0x30000, s1;
	_ =	swait.ge [sflag:s19], $0x3000  }
0xfe: {  	s4 =	sshrl.u32 s5, $0x3;
	[sflag:s19] =	ssyncset.done $0x0  }
0xff: {  	s22 =	simm.s32 $0x7000;
	s4 =	sadd.s32 s2, s4;
	[sflag:s19] =	ssyncadd.s32 $0xFFFFD000  }
0x100: {  	[hbm4b:s4+s29] =	stream.strided.scatter [tilespmem:s22], [sflag:$0xB], $0x3000, s6, s29, $0x38;
	[tilespmem:$0x19000] =	vst v63  }
0x101: {  	s4 =	simm.s32 @!p0 $0x10  }
0x102: {  	_ =	swait.ge @!p0 [sflag:s4], $0x3000  }
0x103: {  	[sflag:s4] =	ssyncset.done @!p0 $0x0  }
0x104: {  	[sflag:s4] =	ssyncadd.s32 @!p0 $0xFFFFD000  }
0x105: {  	v2 =	vld.msk [tilespmem:s21+$0x0], $0x1;
	_ =	sdelay $0x4  }
0x106: {  	v3 =	vshrl.u32 v2, $0x3  }
0x107: {  	v3 =	vmul.u32 $0xC00, v3  }
0x108: {  	v2 =	vand.u32 $0x7, v2  }
0x109: {  	v2 =	vor.u32 v2, v3  }
0x10a: {  	v2 =	vperm.xlane v2, v0;
	_ =	sdelay $0x1  }
0x10b: {  	v2 =	vadd.s32 v1, v2;
	_ =	sdelay $0x3  }
0x10c: {  	s19 =	simm.s32 $0x16000;
	s26 =	sld [smem:$0x7F5]  }
0x10d: {  	[tilespmem:s19], [sflag:$0x8] =	stream.indirect_vreg.gather [hbm4b:s15+s3], $0x80, v2, vm0, $0xb8;
	[tilespmem:$0x19000] =	vst v63  }
0x10e: {  	s31 =	sld [smem:$0x7F7]  }
0x10f: {  	[tilespmem:s26], [sflag:$0x8] =	stream.indirect_vreg.gather [hbm4b:s25+s3], $0x80, v2, vm0, $0xb8;
	[tilespmem:$0x19000] =	vst v63  }
0x110: {  	s0 =	sld [smem:$0x7F8]  }
0x111: {  	[tilespmem:s31], [sflag:$0x8] =	stream.indirect_vreg.gather [hbm4b:s28+s3], $0x80, v2, vm0, $0xb8;
	[tilespmem:$0x19000] =	vst v63  }
0x112: {  	s25 =	sld [smem:$0x7F9]  }
0x113: {  	[tilespmem:s0], [sflag:$0x8] =	stream.indirect_vreg.gather [hbm4b:s24+s3], $0x80, v2, vm0, $0xb8;
	[tilespmem:$0x19000] =	vst v63  }
0x114: {  	s17 =	sadd.s32 $0x100, s17;
	s28 =	sld [smem:$0x7FA]  }
0x115: {  	[tilespmem:s25], [sflag:$0x8] =	stream.indirect_vreg.gather [hbm4b:s14+s3], $0x80, v2, vm0, $0xb8;
	[tilespmem:$0x19000] =	vst v63  }
0x116: {  	s20 =	sadd.s32 $0x2, s20;
	p0 =	sne.s32 s17, $0x1000  }
0x117: {  	[tilespmem:s28], [sflag:$0x8] =	stream.indirect_vreg.gather [hbm4b:s16+s3], $0x80, v2, vm0, $0xb8;
	[tilespmem:$0x19000] =	vst v63  }
.Ltmp0:
0x118: {  	s5 =	sld [smem:$0x7FD];
	s26 =	simm.s32 $0x4;
	(pc) =	sbr.rel @p0 .LBB2_2-.Ltmp0, $4  }
0x119: {  	s21 =	sadd.s32 $0x100, s21;
	s31 =	sadd.s32 $0x48000, s1;
	_ =	swait.ge [sflag:s26], $0x3000  }
0x11a: {  	s1 =	simm.s32 $0x1000;
	s0 =	sshrl.u32 s31, $0x3;
	[sflag:s26] =	ssyncset.done $0x0  }
0x11b: {  	s0 =	sadd.s32 s2, s0;
	s16 =	simm.s32 $0xA000;
	[sflag:s26] =	ssyncadd.s32 $0xFFFFD000  }
0x11c: {  	[hbm4b:s0+s29] =	stream.strided.scatter [tilespmem:s16], [sflag:$0xC], $0x3000, s6, s29, $0x38;
	[tilespmem:$0x19000] =	vst v63  }
0x11d: {  	s0 =	simm.s32 $0x5  }
0x11e: {  	_ =	swait.ge [sflag:s0], $0x3000  }
0x11f: {  	s20 =	sld [smem:$0x7EE]  }
0x120: {  	s4 =	simm.s32 $0x80;
	s6 =	simm.s32 $0x400;
	[sflag:s0] =	ssyncset.done $0x0  }
0x121: {  	s14 =	simm.s32 $0xD000;
	s21 =	simm.s32 $0x6;
	[sflag:s0] =	ssyncadd.s32 $0xFFFFD000  }
0x122: {  	[hbm4b:s20+s4] =	stream.strided.scatter [tilespmem:s14], [sflag:$0xD], $0x3000, s6, s4, $0x38;
	[tilespmem:$0x19000] =	vst v63  }
0x123: {  	_ =	swait.ge [sflag:s21], $0x3000  }
0x124: {  	s24 =	sld [smem:$0x7F0]  }
0x125: {  	[sflag:s21] =	ssyncset.done $0x0  }
0x126: {  	s25 =	simm.s32 $0x10000;
	s26 =	simm.s32 $0x7;
	[sflag:s21] =	ssyncadd.s32 $0xFFFFD000  }
0x127: {  	[hbm4b:s24+s4] =	stream.strided.scatter [tilespmem:s25], [sflag:$0xE], $0x3000, s6, s4, $0x38;
	[tilespmem:$0x19000] =	vst v63  }
0x128: {  	_ =	swait.ge [sflag:s26], $0x3000  }
0x129: {  	s28 =	sld [smem:$0x7F2]  }
0x12a: {  	[sflag:s26] =	ssyncset.done $0x0  }
0x12b: {  	s31 =	simm.s32 $0x8;
	[sflag:s26] =	ssyncadd.s32 $0xFFFFD000  }
0x12c: {  	[hbm4b:s28+s4] =	stream.strided.scatter [tilespmem:s18], [sflag:$0xF], $0x3000, s6, s4, $0x38;
	[tilespmem:$0x19000] =	vst v63  }
0x12d: {  	_ =	swait.ge [sflag:s31], $0x3000  }
0x12e: {  	s14 =	sld [smem:$0x7F4]  }
0x12f: {  	[sflag:s31] =	ssyncset.done $0x0  }
0x130: {  	s17 =	simm.s32 $0x9;
	[sflag:s31] =	ssyncadd.s32 $0xFFFFD000  }
0x131: {  	[hbm4b:s14+s4] =	stream.strided.scatter [tilespmem:s19], [sflag:$0x10], $0x3000, s6, s4, $0x38;
	[tilespmem:$0x19000] =	vst v63  }
0x132: {  	_ =	swait.ge [sflag:s17], $0x3000  }
0x133: {  	[sflag:s17] =	ssyncset.done $0x0  }
0x134: {  	s18 =	simm.s32 $0xA;
	[sflag:s17] =	ssyncadd.s32 $0xFFFFD000  }
0x135: {  	_ =	swait.ge [sflag:s18], $0x3000  }
0x136: {  	[sflag:s18] =	ssyncset.done $0x0  }
0x137: {  	s19 =	simm.s32 $0xB;
	[sflag:s18] =	ssyncadd.s32 $0xFFFFD000  }
0x138: {  	_ =	swait.ge [sflag:s19], $0x3000  }
0x139: {  	[sflag:s19] =	ssyncset.done $0x0  }
0x13a: {  	s20 =	simm.s32 $0xC;
	[sflag:s19] =	ssyncadd.s32 $0xFFFFD000  }
0x13b: {  	_ =	swait.ge [sflag:s20], $0x3000  }
0x13c: {  	[sflag:s20] =	ssyncset.done $0x0  }
0x13d: {  	s21 =	simm.s32 $0xD;
	[sflag:s20] =	ssyncadd.s32 $0xFFFFD000  }
0x13e: {  	_ =	swait.ge [sflag:s21], $0x3000  }
0x13f: {  	[sflag:s21] =	ssyncset.done $0x0  }
0x140: {  	s24 =	simm.s32 $0xE;
	[sflag:s21] =	ssyncadd.s32 $0xFFFFD000  }
0x141: {  	_ =	swait.ge [sflag:s24], $0x3000  }
0x142: {  	[sflag:s24] =	ssyncset.done $0x0  }
0x143: {  	s25 =	simm.s32 $0xF;
	[sflag:s24] =	ssyncadd.s32 $0xFFFFD000  }
0x144: {  	_ =	swait.ge [sflag:s25], $0x3000  }
0x145: {  	[sflag:s25] =	ssyncset.done $0x0  }
0x146: {  	s26 =	simm.s32 $0x10;
	[sflag:s25] =	ssyncadd.s32 $0xFFFFD000  }
0x147: {  	_ =	swait.ge [sflag:s26], $0x3000  }
0x148: {  	s28 =	sld [smem:$0x7E7]  }
0x149: {  	s31 =	sld [smem:$0x7F6];
	_ =	sdelay $0x1  }
0x14a: {  	s6 =	sadd.s32 $0x1, s28  }
0x14b: {  	p0 =	sne.s32 s6, s31  }
.Ltmp1:
0x14c: {  	_ = 	snop;
	(pc) =	sbr.rel @p0 .LBB2_1-.Ltmp1, $3  }
0x14d: {  	_ =	sdelay $0x1  }
0x14e: {  	[sflag:s26] =	ssyncset.done $0x0  }
0x14f: {  	[sflag:s26] =	ssyncadd.s32 $0xFFFFD000  }
0x150: {  	_ =	sfence.sel $0x180000  }
0x151: {  	[bflag:$0x0] =	sbarrier.arrive $0xFFFF  }
0x152: {  	_ =	strace $0x90000047  }
0x153: {  	s0 =	stileid.u32;
	[bflag:$0x2] =	sbarrier.arrive $0xFFFF  }
0x154: {  	p0 =	sne.s32 s0, $0x0;
	s0 =	rddreg [dreg:$0x3]  }
0x155: {  	s0 =	sadd.s32 @!p0 $0x100000, s0  }
0x156: {  	[sflag:s0] =	ssyncadd.tile.s32 @!p0 $0x1;
	_ =	shalt  }
.Lfunc_end2:
_tile_overlayer_lowered:
.L_overlay_start_2:
0x157: {  	(tag) =	ssettag $0x2  }
0x158: {  	s0 =	rddreg [dreg:$0x0];
	s2 =	stileid.u32  }
0x159: {  	s1 =	rddreg [dreg:$0x1];
	p0 =	sne.s32 s2, $0x0  }
0x15a: {  	s3 =	rddreg [dreg:$0x2];
	[bflag:$0x3] =	sbarrier.arrive $0xFFFF;
	s2 =	simm.s32 @!p0 $0x1C11  }
0x15b: {  	[timem:s3], [sflag:s2] =	dma.local @!p0 [hbm:s0], s1  }
0x15c: {  	s0 =	simm.s32 @!p0 $0x11  }
0x15d: {  	_ =	swait.ge @!p0 [sflag:s0], s1  }
0x15e: {  	s1 =	ssub.s32 @!p0 $0x0, s1;
	[sflag:s0] =	ssyncset.done @!p0 $0x0  }
0x15f: {  	[sflag:s0] =	ssyncadd.s32 @!p0 s1  }
0x160: {  	[bflag:$0x3] =	sbarrier.arrive $0xFFFF  }
0x161: {  	_ =	shalt  }

</sc_bundles>
